<compile_context>
chip_gen: v7x
topology: tpu7x:2x2x1
jax: 0.10.2.dev20260603
libtpu: 0.0.44.dev20260713+nightly
codegen_flags: <defaults>
</compile_context>

<pallas_src>
import functools

import jax
import jax.numpy as jnp
from jax import lax
from jax.experimental import pallas as pl
from jax.experimental.pallas import tpu as pltpu
from jax.experimental.pallas import tpu_sc as plsc

N_NODES = 10000
N_EDGES = 320000
FEAT = 128
NUM_GRAPHS = 64

NC = 2
NS = 16
NW = NC * NS
E_PER_W = N_EDGES // NW
CHUNK = 80
N_CHUNKS = E_PER_W // CHUNK
ROWS_A = 624
ROWS_LAST = N_NODES - (NS - 1) * ROWS_A
ZR = 8


def _seg_sum_body(h_hbm, src_hbm, dst_hbm, out_hbm,
                  src_v, dst_v, rows0_v, rows1_v, zbuf_v, agg_sh,
                  sem0, sem1, semz):
    c = lax.axis_index("c")
    s = lax.axis_index("s")
    wid = s * NC + c

    cs = pltpu.async_copy(src_hbm.at[wid], src_v, sem0)
    cd = pltpu.async_copy(dst_hbm.at[wid], dst_v, sem1)

    zeros16 = jnp.zeros((16,), jnp.float32)

    @pl.loop(0, ZR)
    def _zero_rows(r):
        for cc in range(FEAT // 16):
            zbuf_v[r, pl.ds(cc * 16, 16)] = zeros16

    r0 = s * ROWS_A

    nz = jnp.where(s == NS - 1, ROWS_LAST // ZR, ROWS_A // ZR)

    @pl.loop(0, nz)
    def _zero_issue(j):
        pltpu.async_copy(zbuf_v, agg_sh.at[pl.ds(r0 + j * ZR, ZR)], semz)

    cs.wait()
    cd.wait()
    pltpu.async_copy(h_hbm.at[src_v.at[pl.ds(0, CHUNK)]], rows0_v, sem0)
    pltpu.async_copy(h_hbm.at[src_v.at[pl.ds(CHUNK, CHUNK)]], rows1_v, sem1)

    @pl.loop(0, nz)
    def _zero_drain(j):
        pltpu.make_async_copy(zbuf_v, agg_sh.at[pl.ds(r0 + j * ZR, ZR)],
                              semz).wait()

    plsc.subcore_barrier()

    @pl.loop(0, N_CHUNKS - 1, step=2)
    def _edges(i):
        pltpu.make_async_copy(
            h_hbm.at[src_v.at[pl.ds(i * CHUNK, CHUNK)]], rows0_v, sem0).wait()
        pltpu.sync_copy(rows0_v, agg_sh.at[dst_v.at[i]], add=True)
        pltpu.async_copy(
            h_hbm.at[src_v.at[pl.ds((i + 2) * CHUNK, CHUNK)]], rows0_v, sem0)
        pltpu.make_async_copy(
            h_hbm.at[src_v.at[pl.ds((i + 1) * CHUNK, CHUNK)]], rows1_v, sem1).wait()
        pltpu.sync_copy(rows1_v, agg_sh.at[dst_v.at[i + 1]], add=True)

        @pl.when(i + 3 < N_CHUNKS)
        def _():
            pltpu.async_copy(
                h_hbm.at[src_v.at[pl.ds((i + 3) * CHUNK, CHUNK)]], rows1_v, sem1)

    pltpu.make_async_copy(
        h_hbm.at[src_v.at[pl.ds((N_CHUNKS - 1) * CHUNK, CHUNK)]],
        rows0_v, sem0).wait()
    pltpu.sync_copy(rows0_v, agg_sh.at[dst_v.at[N_CHUNKS - 1]], add=True)

    plsc.subcore_barrier()

    @pl.when(s < NS - 1)
    def _():
        pltpu.sync_copy(agg_sh.at[pl.ds(r0, ROWS_A)],
                        out_hbm.at[c, pl.ds(r0, ROWS_A)])

    @pl.when(s == NS - 1)
    def _():
        pltpu.sync_copy(agg_sh.at[pl.ds(r0, ROWS_LAST)],
                        out_hbm.at[c, pl.ds(r0, ROWS_LAST)])


@functools.cache
def _make_seg_sum():
    return functools.partial(
        pl.kernel,
        out_type=jax.ShapeDtypeStruct((NC, N_NODES, FEAT), jnp.float32),
        mesh=plsc.VectorSubcoreMesh(core_axis_name="c", subcore_axis_name="s",
                                    num_cores=NC, num_subcores=NS),
        scratch_types=[
            pltpu.VMEM((E_PER_W,), jnp.int32),
            pltpu.VMEM((N_CHUNKS, CHUNK), jnp.int32),
            pltpu.VMEM((CHUNK, FEAT), jnp.float32),
            pltpu.VMEM((CHUNK, FEAT), jnp.float32),
            pltpu.VMEM((ZR, FEAT), jnp.float32),
            pltpu.VMEM_SHARED((N_NODES, FEAT), jnp.float32),
            pltpu.SemaphoreType.DMA,
            pltpu.SemaphoreType.DMA,
            pltpu.SemaphoreType.DMA,
        ],
    )(_seg_sum_body)


def _mlp_body(h_ref, a0_ref, a1_ref, b2d_ref, w1_ref, b1_ref, w2_ref, b2_ref,
              hout_ref, pool_ref):
    z = h_ref[...] + a0_ref[...] + a1_ref[...]
    z = jnp.maximum(
        jnp.dot(z, w1_ref[...], preferred_element_type=jnp.float32) + b1_ref[...],
        0.0)
    z = jnp.dot(z, w2_ref[...], preferred_element_type=jnp.float32) + b2_ref[...]
    h = jnp.maximum(z, 0.0)
    hout_ref[...] = h

    bids = b2d_ref[0, :]
    onehot = (bids[None, :]
              == lax.broadcasted_iota(jnp.int32, (NUM_GRAPHS, N_NODES), 0)
              ).astype(jnp.float32)
    pool_ref[...] = lax.dot_general(onehot, h, (((1,), (0,)), ((), ())),
                                    preferred_element_type=jnp.float32)


_mlp = pl.pallas_call(
    _mlp_body,
    out_shape=[
        jax.ShapeDtypeStruct((N_NODES, FEAT), jnp.float32),
        jax.ShapeDtypeStruct((NUM_GRAPHS, FEAT), jnp.float32),
    ],
)


def _mlp_last_body(h_ref, a0_ref, a1_ref, b2d_ref, w1_ref, b1_ref, w2_ref,
                   b2_ref, pool_ref):
    z = h_ref[...] + a0_ref[...] + a1_ref[...]
    z = jnp.maximum(
        jnp.dot(z, w1_ref[...], preferred_element_type=jnp.float32) + b1_ref[...],
        0.0)
    z = jnp.dot(z, w2_ref[...], preferred_element_type=jnp.float32) + b2_ref[...]
    h = jnp.maximum(z, 0.0)
    bids = b2d_ref[0, :]
    onehot = (bids[None, :]
              == lax.broadcasted_iota(jnp.int32, (NUM_GRAPHS, N_NODES), 0)
              ).astype(jnp.float32)
    pool_ref[...] = lax.dot_general(onehot, h, (((1,), (0,)), ((), ())),
                                    preferred_element_type=jnp.float32)


_mlp_last = pl.pallas_call(
    _mlp_last_body,
    out_shape=jax.ShapeDtypeStruct((NUM_GRAPHS, FEAT), jnp.float32),
)


def kernel(x, edge_index, batch,
           W1_0, b1_0, W2_0, b2_0,
           W1_1, b1_1, W2_1, b2_1,
           W1_2, b1_2, W2_2, b2_2):
    src = edge_index[0].reshape(NW, E_PER_W)
    dst = edge_index[1].reshape(NW, N_CHUNKS, CHUNK)
    batch2 = batch.reshape(1, N_NODES)
    params = [(W1_0, b1_0, W2_0, b2_0),
              (W1_1, b1_1, W2_1, b2_1),
              (W1_2, b1_2, W2_2, b2_2)]
    h = x.astype(jnp.float32)
    pools = []
    for li, (W1, b1, W2, b2) in enumerate(params):
        agg = _make_seg_sum()(h, src, dst)
        args = (agg[0], agg[1], batch2,
                W1, b1.reshape(1, FEAT), W2, b2.reshape(1, FEAT))
        if li < len(params) - 1:
            h, pool = _mlp(h, *args)
        else:
            pool = _mlp_last(h, *args)
        pools.append(pool)
    return jnp.concatenate(pools, axis=1)

# --- scband reference (transcript-rebuilt; emitter-appended) ---
"""Pipeline reference for scband-gin-17377437680137 (READ-ONLY COPY).

The authoritative reference and input builder live on the scoring server;
editing this copy changes nothing except your own understanding.
"""

import jax, jax.numpy as jnp
import numpy as np

N_NODES = 10000
N_EDGES = 320000
FEAT = 128
HID = 128
NUM_GRAPHS = 64


def setup_inputs(seed: int = 0) -> dict:
    key = jax.random.key(seed)
    ks = jax.random.split(key, 16)
    x = jax.random.normal(ks[0], (N_NODES, FEAT), dtype=jnp.float32)
    edge_index = jax.random.randint(ks[1], (2, N_EDGES), 0, N_NODES, dtype=jnp.int64 if jax.config.jax_enable_x64 else jnp.int32).astype(jnp.int32)
    batch = jnp.sort(jax.random.randint(ks[2], (N_NODES,), 0, NUM_GRAPHS).astype(jnp.int32))
    inp = {"x": x, "edge_index": edge_index, "batch": batch}
    dims = [(FEAT, HID), (HID, HID), (HID, HID)]
    for i, (din, dh) in enumerate(dims):
        s1 = np.sqrt(6.0 / (din + dh))
        s2 = np.sqrt(6.0 / (dh + dh))
        inp[f"W1_{i}"] = jax.random.uniform(ks[3 + 4 * i], (din, dh), jnp.float32, -s1, s1)
        inp[f"b1_{i}"] = jnp.zeros((dh,), jnp.float32)
        inp[f"W2_{i}"] = jax.random.uniform(ks[4 + 4 * i], (dh, dh), jnp.float32, -s2, s2)
        inp[f"b2_{i}"] = jnp.zeros((dh,), jnp.float32)
    return inp


def reference(x, edge_index, batch, W1_0, b1_0, W2_0, b2_0, W1_1, b1_1, W2_1, b2_1, W1_2, b1_2, W2_2, b2_2):
    src = edge_index[0]
    dst = edge_index[1]
    params = [(W1_0, b1_0, W2_0, b2_0), (W1_1, b1_1, W2_1, b2_1), (W1_2, b1_2, W2_2, b2_2)]
    h = x.astype(jnp.float32)
    xs = []
    for (W1, b1, W2, b2) in params:
        # GINConv with eps=0: nn((1+eps)*x + sum_{j in N(i)} x_j)
        agg = jax.ops.segment_sum(h[src], dst, num_segments=N_NODES)
        z = h + agg
        z = jax.nn.relu(z @ W1 + b1)
        z = z @ W2 + b2
        h = jax.nn.relu(z)  # outer activation
        xs.append(h)
    pools = [jax.ops.segment_sum(xx, batch, num_segments=NUM_GRAPHS) for xx in xs]
    return jnp.concatenate(pools, axis=1)

if __name__ == "__main__":
    import jax
    _d = setup_inputs()
    print(jax.jit(kernel)(*tuple(_d.values())))

</pallas_src>

<mosaic_0001>
#map = affine_map<(d0, d1) -> (0, 0)>
#map1 = affine_map<(d0, d1) -> (0, 0, 0)>
module attributes {stable_mosaic.version = 14 : i64} {
  func.func @_seg_sum_body(%arg0: i32, %arg1: i32, %arg2: memref<10000x128xf32, #tpu.memory_space<hbm>>, %arg3: memref<32x10000xi32, #tpu.memory_space<hbm>>, %arg4: memref<32x125x80xi32, #tpu.memory_space<hbm>>, %arg5: memref<2x10000x128xf32, #tpu.memory_space<hbm>>, %arg6: memref<10000xi32, #tpu.memory_space<vmem>>, %arg7: memref<125x80xi32, #tpu.memory_space<vmem>>, %arg8: memref<80x128xf32, #tpu.memory_space<vmem>>, %arg9: memref<80x128xf32, #tpu.memory_space<vmem>>, %arg10: memref<8x128xf32, #tpu.memory_space<vmem>>, %arg11: memref<10000x128xf32, #tpu.memory_space<vmem_shared>>, %arg12: memref<!tpu.dma_semaphore, #tpu.memory_space<semaphore_mem>>, %arg13: memref<!tpu.dma_semaphore, #tpu.memory_space<semaphore_mem>>, %arg14: memref<!tpu.dma_semaphore, #tpu.memory_space<semaphore_mem>>) attributes {dimension_semantics = [#tpu.dimension_semantics<core_parallel>, #tpu.dimension_semantics<subcore_parallel>], iteration_bounds = array<i64: 2, 16>, scalar_prefetch = 0 : i64, scratch_operands = 9 : i64, tpu.core_type = #tpu.core_type<sc_vector_subcore>, window_params = [{transform_indices = #map}, {transform_indices = #map}, {transform_indices = #map1}, {transform_indices = #map1}]} {
    %mul3A = arith.constant 2 : i32
    %mul3A_0 = arith.muli %arg1, %mul3A : i32
    %add3A = arith.addi %mul3A_0, %arg0 : i32
    %dma_start3A = arith.constant 0 : i32
    %dma_start3A_1 = tpu.memref_slice %arg3[%add3A, %dma_start3A] : memref<32x10000xi32, #tpu.memory_space<hbm>> -> memref<1x10000xi32, #tpu.memory_space<hbm>>
    %dma_start3A_2 = tpu.memref_squeeze %dma_start3A_1 : memref<1x10000xi32, #tpu.memory_space<hbm>> -> memref<10000xi32, #tpu.memory_space<hbm>>
    %dma_start3A_3 = arith.constant 0 : i32
    %dma_start3A_4 = tpu.memref_slice %arg3[%add3A, %dma_start3A_3] : memref<32x10000xi32, #tpu.memory_space<hbm>> -> memref<1x10000xi32, #tpu.memory_space<hbm>>
    %dma_start3A_5 = tpu.memref_squeeze %dma_start3A_4 : memref<1x10000xi32, #tpu.memory_space<hbm>> -> memref<10000xi32, #tpu.memory_space<hbm>>
    tpu.enqueue_dma source(%dma_start3A_5 : memref<10000xi32, #tpu.memory_space<hbm>>) target(%arg6 : memref<10000xi32, #tpu.memory_space<vmem>>) target_semaphore(%arg12 : memref<!tpu.dma_semaphore, #tpu.memory_space<semaphore_mem>>)
    %dma_start3A_6 = arith.constant 0 : i32
    %dma_start3A_7 = arith.constant 0 : i32
    %dma_start3A_8 = tpu.memref_slice %arg4[%add3A, %dma_start3A_6, %dma_start3A_7] : memref<32x125x80xi32, #tpu.memory_space<hbm>> -> memref<1x125x80xi32, #tpu.memory_space<hbm>>
    %dma_start3A_9 = tpu.memref_squeeze %dma_start3A_8 : memref<1x125x80xi32, #tpu.memory_space<hbm>> -> memref<125x80xi32, #tpu.memory_space<hbm>>
    %dma_start3A_10 = arith.constant 0 : i32
    %dma_start3A_11 = arith.constant 0 : i32
    %dma_start3A_12 = tpu.memref_slice %arg4[%add3A, %dma_start3A_10, %dma_start3A_11] : memref<32x125x80xi32, #tpu.memory_space<hbm>> -> memref<1x125x80xi32, #tpu.memory_space<hbm>>
    %dma_start3A_13 = tpu.memref_squeeze %dma_start3A_12 : memref<1x125x80xi32, #tpu.memory_space<hbm>> -> memref<125x80xi32, #tpu.memory_space<hbm>>
    tpu.enqueue_dma source(%dma_start3A_13 : memref<125x80xi32, #tpu.memory_space<hbm>>) target(%arg7 : memref<125x80xi32, #tpu.memory_space<vmem>>) target_semaphore(%arg13 : memref<!tpu.dma_semaphore, #tpu.memory_space<semaphore_mem>>)
    %broadcast_in_dim3A = arith.constant 0.000000e+00 : f32
    %broadcast_in_dim3A_14 = vector.broadcast %broadcast_in_dim3A : f32 to vector<16xf32>
    %scan3A = arith.constant 0 : i32
    %scan3A_15 = arith.constant 8 : i32
    %scan3A_16 = arith.addi %scan3A, %scan3A_15 : i32
    %scan3A_17 = arith.constant 1 : i32
    scf.for %scan3A_99 = %scan3A to %scan3A_16 step %scan3A_17  : i32 {
      %mul3A_100 = arith.constant 1 : i32
      %mul3A_101 = arith.muli %scan3A_99, %mul3A_100 : i32
      %add3A_102 = arith.constant 0 : i32
      %add3A_103 = arith.addi %add3A_102, %mul3A_101 : i32
      %swap3A = arith.index_cast %add3A_103 : i32 to index
      %swap3A_104 = arith.constant 0 : index
      %swap3A_105 = tpu.vector_load %arg10[%swap3A, %swap3A_104] {strides = array<i32>} : memref<8x128xf32, #tpu.memory_space<vmem>>, vector<1x16xf32>,
      %swap3A_106 = vector.shape_cast %swap3A_105 : vector<1x16xf32> to vector<16xf32>
      %swap3A_107 = vector.shape_cast %broadcast_in_dim3A_14 : vector<16xf32> to vector<1x16xf32>
      tpu.vector_store %arg10[%swap3A, %swap3A_104], %swap3A_107 {strides = array<i32>} : memref<8x128xf32, #tpu.memory_space<vmem>>, vector<1x16xf32>,
      %swap3A_108 = arith.index_cast %add3A_103 : i32 to index
      %swap3A_109 = arith.constant 16 : index
      %swap3A_110 = tpu.vector_load %arg10[%swap3A_108, %swap3A_109] {strides = array<i32>} : memref<8x128xf32, #tpu.memory_space<vmem>>, vector<1x16xf32>,
      %swap3A_111 = vector.shape_cast %swap3A_110 : vector<1x16xf32> to vector<16xf32>
      %swap3A_112 = vector.shape_cast %broadcast_in_dim3A_14 : vector<16xf32> to vector<1x16xf32>
      tpu.vector_store %arg10[%swap3A_108, %swap3A_109], %swap3A_112 {strides = array<i32>} : memref<8x128xf32, #tpu.memory_space<vmem>>, vector<1x16xf32>,
      %swap3A_113 = arith.index_cast %add3A_103 : i32 to index
      %swap3A_114 = arith.constant 32 : index
      %swap3A_115 = tpu.vector_load %arg10[%swap3A_113, %swap3A_114] {strides = array<i32>} : memref<8x128xf32, #tpu.memory_space<vmem>>, vector<1x16xf32>,
      %swap3A_116 = vector.shape_cast %swap3A_115 : vector<1x16xf32> to vector<16xf32>
      %swap3A_117 = vector.shape_cast %broadcast_in_dim3A_14 : vector<16xf32> to vector<1x16xf32>
      tpu.vector_store %arg10[%swap3A_113, %swap3A_114], %swap3A_117 {strides = array<i32>} : memref<8x128xf32, #tpu.memory_space<vmem>>, vector<1x16xf32>,
      %swap3A_118 = arith.index_cast %add3A_103 : i32 to index
      %swap3A_119 = arith.constant 48 : index
      %swap3A_120 = tpu.vector_load %arg10[%swap3A_118, %swap3A_119] {strides = array<i32>} : memref<8x128xf32, #tpu.memory_space<vmem>>, vector<1x16xf32>,
      %swap3A_121 = vector.shape_cast %swap3A_120 : vector<1x16xf32> to vector<16xf32>
      %swap3A_122 = vector.shape_cast %broadcast_in_dim3A_14 : vector<16xf32> to vector<1x16xf32>
      tpu.vector_store %arg10[%swap3A_118, %swap3A_119], %swap3A_122 {strides = array<i32>} : memref<8x128xf32, #tpu.memory_space<vmem>>, vector<1x16xf32>,
      %swap3A_123 = arith.index_cast %add3A_103 : i32 to index
      %swap3A_124 = arith.constant 64 : index
      %swap3A_125 = tpu.vector_load %arg10[%swap3A_123, %swap3A_124] {strides = array<i32>} : memref<8x128xf32, #tpu.memory_space<vmem>>, vector<1x16xf32>,
      %swap3A_126 = vector.shape_cast %swap3A_125 : vector<1x16xf32> to vector<16xf32>
      %swap3A_127 = vector.shape_cast %broadcast_in_dim3A_14 : vector<16xf32> to vector<1x16xf32>
      tpu.vector_store %arg10[%swap3A_123, %swap3A_124], %swap3A_127 {strides = array<i32>} : memref<8x128xf32, #tpu.memory_space<vmem>>, vector<1x16xf32>,
      %swap3A_128 = arith.index_cast %add3A_103 : i32 to index
      %swap3A_129 = arith.constant 80 : index
      %swap3A_130 = tpu.vector_load %arg10[%swap3A_128, %swap3A_129] {strides = array<i32>} : memref<8x128xf32, #tpu.memory_space<vmem>>, vector<1x16xf32>,
      %swap3A_131 = vector.shape_cast %swap3A_130 : vector<1x16xf32> to vector<16xf32>
      %swap3A_132 = vector.shape_cast %broadcast_in_dim3A_14 : vector<16xf32> to vector<1x16xf32>
      tpu.vector_store %arg10[%swap3A_128, %swap3A_129], %swap3A_132 {strides = array<i32>} : memref<8x128xf32, #tpu.memory_space<vmem>>, vector<1x16xf32>,
      %swap3A_133 = arith.index_cast %add3A_103 : i32 to index
      %swap3A_134 = arith.constant 96 : index
      %swap3A_135 = tpu.vector_load %arg10[%swap3A_133, %swap3A_134] {strides = array<i32>} : memref<8x128xf32, #tpu.memory_space<vmem>>, vector<1x16xf32>,
      %swap3A_136 = vector.shape_cast %swap3A_135 : vector<1x16xf32> to vector<16xf32>
      %swap3A_137 = vector.shape_cast %broadcast_in_dim3A_14 : vector<16xf32> to vector<1x16xf32>
      tpu.vector_store %arg10[%swap3A_133, %swap3A_134], %swap3A_137 {strides = array<i32>} : memref<8x128xf32, #tpu.memory_space<vmem>>, vector<1x16xf32>,
      %swap3A_138 = arith.index_cast %add3A_103 : i32 to index
      %swap3A_139 = arith.constant 112 : index
      %swap3A_140 = tpu.vector_load %arg10[%swap3A_138, %swap3A_139] {strides = array<i32>} : memref<8x128xf32, #tpu.memory_space<vmem>>, vector<1x16xf32>,
      %swap3A_141 = vector.shape_cast %swap3A_140 : vector<1x16xf32> to vector<16xf32>
      %swap3A_142 = vector.shape_cast %broadcast_in_dim3A_14 : vector<16xf32> to vector<1x16xf32>
      tpu.vector_store %arg10[%swap3A_138, %swap3A_139], %swap3A_142 {strides = array<i32>} : memref<8x128xf32, #tpu.memory_space<vmem>>, vector<1x16xf32>,
    }
    %scan3A_18 = arith.constant 8 : i32
    %mul3A_19 = arith.constant 624 : i32
    %mul3A_20 = arith.muli %arg1, %mul3A_19 : i32
    %eq3A = arith.constant 15 : i32
    %eq3A_21 = arith.cmpi eq, %arg1, %eq3A : i32
    %jit3A = arith.constant 80 : i32
    %jit3A_22 = arith.constant 78 : i32
    %select_n3A = arith.select %eq3A_21, %jit3A, %jit3A_22 : i32
    %sub3A = arith.constant 0 : i32
    %sub3A_23 = arith.subi %select_n3A, %sub3A : i32
    %sub3A_24 = arith.constant 1 : i32
    %sub3A_25 = arith.constant 1 : i32
    %sub3A_26 = arith.subi %sub3A_24, %sub3A_25 : i32
    %add3A_27 = arith.addi %sub3A_23, %sub3A_26 : i32
    %div3A = arith.constant 1 : i32
    %div3A_28 = arith.divsi %add3A_27, %div3A : i32
    %while3A = arith.constant 1 : i32
    %while3A_29 = arith.constant 0 : i32
    %while3A_30 = arith.constant 0 : i32
    %while3A_31 = arith.subi %div3A_28, %while3A_30 : i32
    %while3A_32 = arith.addi %while3A_30, %while3A_31 : i32
    %while3A_33 = arith.constant 1 : i32
    %while3A_34 = arith.divsi %while3A_31, %while3A_33 : i32
    %while3A_35 = arith.muli %while3A_34, %while3A_33 : i32
    %while3A_36 = arith.addi %while3A_30, %while3A_35 : i32
    %while3A_37 = arith.constant 1 : i32
    scf.for %while3A_99 = %while3A_30 to %while3A_36 step %while3A_37  : i32 {
      %mul3A_100 = arith.muli %while3A_99, %while3A : i32
      %add3A_101 = arith.addi %while3A_29, %mul3A_100 : i32
      %mul3A_102 = arith.constant 8 : i32
      %mul3A_103 = arith.muli %add3A_101, %mul3A_102 : i32
      %add3A_104 = arith.addi %mul3A_20, %mul3A_103 : i32
      %dma_start3A_105 = arith.constant 0 : i32
      %dma_start3A_106 = tpu.memref_slice %arg11[%add3A_104, %dma_start3A_105] : memref<10000x128xf32, #tpu.memory_space<vmem_shared>> -> memref<8x128xf32, #tpu.memory_space<vmem_shared>>
      %dma_start3A_107 = arith.constant 0 : i32
      %dma_start3A_108 = tpu.memref_slice %arg11[%add3A_104, %dma_start3A_107] : memref<10000x128xf32, #tpu.memory_space<vmem_shared>> -> memref<8x128xf32, #tpu.memory_space<vmem_shared>>
      tpu.enqueue_dma source(%arg10 : memref<8x128xf32, #tpu.memory_space<vmem>>) target(%dma_start3A_108 : memref<8x128xf32, #tpu.memory_space<vmem_shared>>) target_semaphore(%arg14 : memref<!tpu.dma_semaphore, #tpu.memory_space<semaphore_mem>>)
    }
    %while3A_38 = arith.constant 1 : i32
    scf.for %while3A_99 = %while3A_36 to %while3A_32 step %while3A_38  : i32 {
      %mul3A_100 = arith.muli %while3A_99, %while3A : i32
      %add3A_101 = arith.addi %while3A_29, %mul3A_100 : i32
      %mul3A_102 = arith.constant 8 : i32
      %mul3A_103 = arith.muli %add3A_101, %mul3A_102 : i32
      %add3A_104 = arith.addi %mul3A_20, %mul3A_103 : i32
      %dma_start3A_105 = arith.constant 0 : i32
      %dma_start3A_106 = tpu.memref_slice %arg11[%add3A_104, %dma_start3A_105] : memref<10000x128xf32, #tpu.memory_space<vmem_shared>> -> memref<8x128xf32, #tpu.memory_space<vmem_shared>>
      %dma_start3A_107 = arith.constant 0 : i32
      %dma_start3A_108 = tpu.memref_slice %arg11[%add3A_104, %dma_start3A_107] : memref<10000x128xf32, #tpu.memory_space<vmem_shared>> -> memref<8x128xf32, #tpu.memory_space<vmem_shared>>
      tpu.enqueue_dma source(%arg10 : memref<8x128xf32, #tpu.memory_space<vmem>>) target(%dma_start3A_108 : memref<8x128xf32, #tpu.memory_space<vmem_shared>>) target_semaphore(%arg14 : memref<!tpu.dma_semaphore, #tpu.memory_space<semaphore_mem>>)
    }
    %dma_wait3A = arith.constant 0 : i32
    %dma_wait3A_39 = tpu.memref_slice %arg3[%add3A, %dma_wait3A] : memref<32x10000xi32, #tpu.memory_space<hbm>> -> memref<1x10000xi32, #tpu.memory_space<hbm>>
    %dma_wait3A_40 = tpu.memref_squeeze %dma_wait3A_39 : memref<1x10000xi32, #tpu.memory_space<hbm>> -> memref<10000xi32, #tpu.memory_space<hbm>>
    %dma_wait3A_41 = arith.constant 0 : i32
    %dma_wait3A_42 = tpu.memref_slice %arg3[%add3A, %dma_wait3A_41] : memref<32x10000xi32, #tpu.memory_space<hbm>> -> memref<1x10000xi32, #tpu.memory_space<hbm>>
    %dma_wait3A_43 = tpu.memref_squeeze %dma_wait3A_42 : memref<1x10000xi32, #tpu.memory_space<hbm>> -> memref<10000xi32, #tpu.memory_space<hbm>>
    tpu.wait_dma2 semaphore(%arg12 : memref<!tpu.dma_semaphore, #tpu.memory_space<semaphore_mem>>) src(%dma_wait3A_43 : memref<10000xi32, #tpu.memory_space<hbm>>) dst(%arg6 : memref<10000xi32, #tpu.memory_space<vmem>>)
    %dma_wait3A_44 = arith.constant 0 : i32
    %dma_wait3A_45 = arith.constant 0 : i32
    %dma_wait3A_46 = tpu.memref_slice %arg4[%add3A, %dma_wait3A_44, %dma_wait3A_45] : memref<32x125x80xi32, #tpu.memory_space<hbm>> -> memref<1x125x80xi32, #tpu.memory_space<hbm>>
    %dma_wait3A_47 = tpu.memref_squeeze %dma_wait3A_46 : memref<1x125x80xi32, #tpu.memory_space<hbm>> -> memref<125x80xi32, #tpu.memory_space<hbm>>
    %dma_wait3A_48 = arith.constant 0 : i32
    %dma_wait3A_49 = arith.constant 0 : i32
    %dma_wait3A_50 = tpu.memref_slice %arg4[%add3A, %dma_wait3A_48, %dma_wait3A_49] : memref<32x125x80xi32, #tpu.memory_space<hbm>> -> memref<1x125x80xi32, #tpu.memory_space<hbm>>
    %dma_wait3A_51 = tpu.memref_squeeze %dma_wait3A_50 : memref<1x125x80xi32, #tpu.memory_space<hbm>> -> memref<125x80xi32, #tpu.memory_space<hbm>>
    tpu.wait_dma2 semaphore(%arg13 : memref<!tpu.dma_semaphore, #tpu.memory_space<semaphore_mem>>) src(%dma_wait3A_51 : memref<125x80xi32, #tpu.memory_space<hbm>>) dst(%arg7 : memref<125x80xi32, #tpu.memory_space<vmem>>)
    %dma_start3A_52 = arith.constant 0 : i32
    %dma_start3A_53 = tpu.memref_slice %arg6[%dma_start3A_52] : memref<10000xi32, #tpu.memory_space<vmem>> -> memref<80xi32, #tpu.memory_space<vmem>>
    %dma_start3A_54 = arith.constant 0 : i32
    %dma_start3A_55 = arith.constant 0 : i32
    %dma_start3A_56 = tpu.memref_slice %arg2[%dma_start3A_54, %dma_start3A_55] : memref<10000x128xf32, #tpu.memory_space<hbm>> -> memref<10000x128xf32, #tpu.memory_space<hbm>>
    tpu.enqueue_indirect_dma source(%dma_start3A_56 : memref<10000x128xf32, #tpu.memory_space<hbm>>) target(%arg8 : memref<80x128xf32, #tpu.memory_space<vmem>>) offsets(%dma_start3A_53 : memref<80xi32, #tpu.memory_space<vmem>>) semaphore(%arg12 : memref<!tpu.dma_semaphore, #tpu.memory_space<semaphore_mem>>)
    %dma_start3A_57 = arith.constant 80 : i32
    %dma_start3A_58 = tpu.memref_slice %arg6[%dma_start3A_57] : memref<10000xi32, #tpu.memory_space<vmem>> -> memref<80xi32, #tpu.memory_space<vmem>>
    %dma_start3A_59 = arith.constant 0 : i32
    %dma_start3A_60 = arith.constant 0 : i32
    %dma_start3A_61 = tpu.memref_slice %arg2[%dma_start3A_59, %dma_start3A_60] : memref<10000x128xf32, #tpu.memory_space<hbm>> -> memref<10000x128xf32, #tpu.memory_space<hbm>>
    tpu.enqueue_indirect_dma source(%dma_start3A_61 : memref<10000x128xf32, #tpu.memory_space<hbm>>) target(%arg9 : memref<80x128xf32, #tpu.memory_space<vmem>>) offsets(%dma_start3A_58 : memref<80xi32, #tpu.memory_space<vmem>>) semaphore(%arg13 : memref<!tpu.dma_semaphore, #tpu.memory_space<semaphore_mem>>)
    %sub3A_62 = arith.constant 0 : i32
    %sub3A_63 = arith.subi %select_n3A, %sub3A_62 : i32
    %sub3A_64 = arith.constant 1 : i32
    %sub3A_65 = arith.constant 1 : i32
    %sub3A_66 = arith.subi %sub3A_64, %sub3A_65 : i32
    %add3A_67 = arith.addi %sub3A_63, %sub3A_66 : i32
    %div3A_68 = arith.constant 1 : i32
    %div3A_69 = arith.divsi %add3A_67, %div3A_68 : i32
    %while3A_70 = arith.constant 1 : i32
    %while3A_71 = arith.constant 0 : i32
    %while3A_72 = arith.constant 0 : i32
    %while3A_73 = arith.subi %div3A_69, %while3A_72 : i32
    %while3A_74 = arith.addi %while3A_72, %while3A_73 : i32
    %while3A_75 = arith.constant 1 : i32
    %while3A_76 = arith.divsi %while3A_73, %while3A_75 : i32
    %while3A_77 = arith.muli %while3A_76, %while3A_75 : i32
    %while3A_78 = arith.addi %while3A_72, %while3A_77 : i32
    %while3A_79 = arith.constant 1 : i32
    scf.for %while3A_99 = %while3A_72 to %while3A_78 step %while3A_79  : i32 {
      %mul3A_100 = arith.muli %while3A_99, %while3A_70 : i32
      %add3A_101 = arith.addi %while3A_71, %mul3A_100 : i32
      %mul3A_102 = arith.constant 8 : i32
      %mul3A_103 = arith.muli %add3A_101, %mul3A_102 : i32
      %add3A_104 = arith.addi %mul3A_20, %mul3A_103 : i32
      %dma_wait3A_105 = arith.constant 0 : i32
      %dma_wait3A_106 = tpu.memref_slice %arg11[%add3A_104, %dma_wait3A_105] : memref<10000x128xf32, #tpu.memory_space<vmem_shared>> -> memref<8x128xf32, #tpu.memory_space<vmem_shared>>
      %dma_wait3A_107 = arith.constant 0 : i32
      %dma_wait3A_108 = tpu.memref_slice %arg11[%add3A_104, %dma_wait3A_107] : memref<10000x128xf32, #tpu.memory_space<vmem_shared>> -> memref<8x128xf32, #tpu.memory_space<vmem_shared>>
      tpu.wait_dma2 semaphore(%arg14 : memref<!tpu.dma_semaphore, #tpu.memory_space<semaphore_mem>>) src(%arg10 : memref<8x128xf32, #tpu.memory_space<vmem>>) dst(%dma_wait3A_108 : memref<8x128xf32, #tpu.memory_space<vmem_shared>>)
    }
    %while3A_80 = arith.constant 1 : i32
    scf.for %while3A_99 = %while3A_78 to %while3A_74 step %while3A_80  : i32 {
      %mul3A_100 = arith.muli %while3A_99, %while3A_70 : i32
      %add3A_101 = arith.addi %while3A_71, %mul3A_100 : i32
      %mul3A_102 = arith.constant 8 : i32
      %mul3A_103 = arith.muli %add3A_101, %mul3A_102 : i32
      %add3A_104 = arith.addi %mul3A_20, %mul3A_103 : i32
      %dma_wait3A_105 = arith.constant 0 : i32
      %dma_wait3A_106 = tpu.memref_slice %arg11[%add3A_104, %dma_wait3A_105] : memref<10000x128xf32, #tpu.memory_space<vmem_shared>> -> memref<8x128xf32, #tpu.memory_space<vmem_shared>>
      %dma_wait3A_107 = arith.constant 0 : i32
      %dma_wait3A_108 = tpu.memref_slice %arg11[%add3A_104, %dma_wait3A_107] : memref<10000x128xf32, #tpu.memory_space<vmem_shared>> -> memref<8x128xf32, #tpu.memory_space<vmem_shared>>
      tpu.wait_dma2 semaphore(%arg14 : memref<!tpu.dma_semaphore, #tpu.memory_space<semaphore_mem>>) src(%arg10 : memref<8x128xf32, #tpu.memory_space<vmem>>) dst(%dma_wait3A_108 : memref<8x128xf32, #tpu.memory_space<vmem_shared>>)
    }
    %barrier3A = arith.constant 0 : index
    tpu.barrier barrier_id(%barrier3A)
    %scan3A_81 = arith.constant 0 : i32
    %scan3A_82 = arith.constant 62 : i32
    %scan3A_83 = arith.addi %scan3A_81, %scan3A_82 : i32
    %scan3A_84 = arith.constant 1 : i32
    scf.for %scan3A_99 = %scan3A_81 to %scan3A_83 step %scan3A_84  : i32 {
      %mul3A_100 = arith.constant 2 : i32
      %mul3A_101 = arith.muli %scan3A_99, %mul3A_100 : i32
      %add3A_102 = arith.constant 0 : i32
      %add3A_103 = arith.addi %add3A_102, %mul3A_101 : i32
      %mul3A_104 = arith.constant 80 : i32
      %mul3A_105 = arith.muli %add3A_103, %mul3A_104 : i32
      %dma_wait3A_106 = tpu.memref_slice %arg6[%mul3A_105] : memref<10000xi32, #tpu.memory_space<vmem>> -> memref<80xi32, #tpu.memory_space<vmem>>
      %dma_wait3A_107 = arith.constant 0 : i32
      %dma_wait3A_108 = arith.constant 0 : i32
      %dma_wait3A_109 = tpu.memref_slice %arg2[%dma_wait3A_107, %dma_wait3A_108] : memref<10000x128xf32, #tpu.memory_space<hbm>> -> memref<10000x128xf32, #tpu.memory_space<hbm>>
      tpu.wait_indirect_dma semaphore(%arg12 : memref<!tpu.dma_semaphore, #tpu.memory_space<semaphore_mem>>) src(%dma_wait3A_109 : memref<10000x128xf32, #tpu.memory_space<hbm>>) dst(%arg8 : memref<80x128xf32, #tpu.memory_space<vmem>>)
      "tpu.region"() ({
        %run_scoped3A_135 = tpu.sem_alloc : memref<!tpu.dma_semaphore, #tpu.memory_space<semaphore_mem>>
        %dma_start3A_136 = arith.constant 0 : i32
        %dma_start3A_137 = tpu.memref_slice %arg7[%add3A_103, %dma_start3A_136] : memref<125x80xi32, #tpu.memory_space<vmem>> -> memref<1x80xi32, #tpu.memory_space<vmem>>
        %dma_start3A_138 = tpu.memref_squeeze %dma_start3A_137 : memref<1x80xi32, #tpu.memory_space<vmem>> -> memref<80xi32, #tpu.memory_space<vmem>>
        %dma_start3A_139 = arith.constant 0 : i32
        %dma_start3A_140 = arith.constant 0 : i32
        %dma_start3A_141 = tpu.memref_slice %arg11[%dma_start3A_139, %dma_start3A_140] : memref<10000x128xf32, #tpu.memory_space<vmem_shared>> -> memref<10000x128xf32, #tpu.memory_space<vmem_shared>>
        tpu.enqueue_indirect_dma source(%arg8 : memref<80x128xf32, #tpu.memory_space<vmem>>) target(%dma_start3A_141 : memref<10000x128xf32, #tpu.memory_space<vmem_shared>>) offsets(%dma_start3A_138 : memref<80xi32, #tpu.memory_space<vmem>>) semaphore(%run_scoped3A_135 : memref<!tpu.dma_semaphore, #tpu.memory_space<semaphore_mem>>) {add = true}
        %dma_wait3A_142 = arith.constant 0 : i32
        %dma_wait3A_143 = tpu.memref_slice %arg7[%add3A_103, %dma_wait3A_142] : memref<125x80xi32, #tpu.memory_space<vmem>> -> memref<1x80xi32, #tpu.memory_space<vmem>>
        %dma_wait3A_144 = tpu.memref_squeeze %dma_wait3A_143 : memref<1x80xi32, #tpu.memory_space<vmem>> -> memref<80xi32, #tpu.memory_space<vmem>>
        %dma_wait3A_145 = arith.constant 0 : i32
        %dma_wait3A_146 = arith.constant 0 : i32
        %dma_wait3A_147 = tpu.memref_slice %arg11[%dma_wait3A_145, %dma_wait3A_146] : memref<10000x128xf32, #tpu.memory_space<vmem_shared>> -> memref<10000x128xf32, #tpu.memory_space<vmem_shared>>
        tpu.wait_indirect_dma semaphore(%run_scoped3A_135 : memref<!tpu.dma_semaphore, #tpu.memory_space<semaphore_mem>>) src(%arg8 : memref<80x128xf32, #tpu.memory_space<vmem>>) dst(%dma_wait3A_147 : memref<10000x128xf32, #tpu.memory_space<vmem_shared>>)
        tpu.yield
      }) : () -> ()
      %add3A_110 = arith.constant 2 : i32
      %add3A_111 = arith.addi %add3A_103, %add3A_110 : i32
      %mul3A_112 = arith.constant 80 : i32
      %mul3A_113 = arith.muli %add3A_111, %mul3A_112 : i32
      %dma_start3A_114 = tpu.memref_slice %arg6[%mul3A_113] : memref<10000xi32, #tpu.memory_space<vmem>> -> memref<80xi32, #tpu.memory_space<vmem>>
      %dma_start3A_115 = arith.constant 0 : i32
      %dma_start3A_116 = arith.constant 0 : i32
      %dma_start3A_117 = tpu.memref_slice %arg2[%dma_start3A_115, %dma_start3A_116] : memref<10000x128xf32, #tpu.memory_space<hbm>> -> memref<10000x128xf32, #tpu.memory_space<hbm>>
      tpu.enqueue_indirect_dma source(%dma_start3A_117 : memref<10000x128xf32, #tpu.memory_space<hbm>>) target(%arg8 : memref<80x128xf32, #tpu.memory_space<vmem>>) offsets(%dma_start3A_114 : memref<80xi32, #tpu.memory_space<vmem>>) semaphore(%arg12 : memref<!tpu.dma_semaphore, #tpu.memory_space<semaphore_mem>>)
      %add3A_118 = arith.constant 1 : i32
      %add3A_119 = arith.addi %add3A_103, %add3A_118 : i32
      %mul3A_120 = arith.constant 80 : i32
      %mul3A_121 = arith.muli %add3A_119, %mul3A_120 : i32
      %dma_wait3A_122 = tpu.memref_slice %arg6[%mul3A_121] : memref<10000xi32, #tpu.memory_space<vmem>> -> memref<80xi32, #tpu.memory_space<vmem>>
      %dma_wait3A_123 = arith.constant 0 : i32
      %dma_wait3A_124 = arith.constant 0 : i32
      %dma_wait3A_125 = tpu.memref_slice %arg2[%dma_wait3A_123, %dma_wait3A_124] : memref<10000x128xf32, #tpu.memory_space<hbm>> -> memref<10000x128xf32, #tpu.memory_space<hbm>>
      tpu.wait_indirect_dma semaphore(%arg13 : memref<!tpu.dma_semaphore, #tpu.memory_space<semaphore_mem>>) src(%dma_wait3A_125 : memref<10000x128xf32, #tpu.memory_space<hbm>>) dst(%arg9 : memref<80x128xf32, #tpu.memory_space<vmem>>)
      %add3A_126 = arith.constant 1 : i32
      %add3A_127 = arith.addi %add3A_103, %add3A_126 : i32
      "tpu.region"() ({
        %run_scoped3A_135 = tpu.sem_alloc : memref<!tpu.dma_semaphore, #tpu.memory_space<semaphore_mem>>
        %dma_start3A_136 = arith.constant 0 : i32
        %dma_start3A_137 = tpu.memref_slice %arg7[%add3A_127, %dma_start3A_136] : memref<125x80xi32, #tpu.memory_space<vmem>> -> memref<1x80xi32, #tpu.memory_space<vmem>>
        %dma_start3A_138 = tpu.memref_squeeze %dma_start3A_137 : memref<1x80xi32, #tpu.memory_space<vmem>> -> memref<80xi32, #tpu.memory_space<vmem>>
        %dma_start3A_139 = arith.constant 0 : i32
        %dma_start3A_140 = arith.constant 0 : i32
        %dma_start3A_141 = tpu.memref_slice %arg11[%dma_start3A_139, %dma_start3A_140] : memref<10000x128xf32, #tpu.memory_space<vmem_shared>> -> memref<10000x128xf32, #tpu.memory_space<vmem_shared>>
        tpu.enqueue_indirect_dma source(%arg9 : memref<80x128xf32, #tpu.memory_space<vmem>>) target(%dma_start3A_141 : memref<10000x128xf32, #tpu.memory_space<vmem_shared>>) offsets(%dma_start3A_138 : memref<80xi32, #tpu.memory_space<vmem>>) semaphore(%run_scoped3A_135 : memref<!tpu.dma_semaphore, #tpu.memory_space<semaphore_mem>>) {add = true}
        %dma_wait3A_142 = arith.constant 0 : i32
        %dma_wait3A_143 = tpu.memref_slice %arg7[%add3A_127, %dma_wait3A_142] : memref<125x80xi32, #tpu.memory_space<vmem>> -> memref<1x80xi32, #tpu.memory_space<vmem>>
        %dma_wait3A_144 = tpu.memref_squeeze %dma_wait3A_143 : memref<1x80xi32, #tpu.memory_space<vmem>> -> memref<80xi32, #tpu.memory_space<vmem>>
        %dma_wait3A_145 = arith.constant 0 : i32
        %dma_wait3A_146 = arith.constant 0 : i32
        %dma_wait3A_147 = tpu.memref_slice %arg11[%dma_wait3A_145, %dma_wait3A_146] : memref<10000x128xf32, #tpu.memory_space<vmem_shared>> -> memref<10000x128xf32, #tpu.memory_space<vmem_shared>>
        tpu.wait_indirect_dma semaphore(%run_scoped3A_135 : memref<!tpu.dma_semaphore, #tpu.memory_space<semaphore_mem>>) src(%arg9 : memref<80x128xf32, #tpu.memory_space<vmem>>) dst(%dma_wait3A_147 : memref<10000x128xf32, #tpu.memory_space<vmem_shared>>)
        tpu.yield
      }) : () -> ()
      %add3A_128 = arith.constant 3 : i32
      %add3A_129 = arith.addi %add3A_103, %add3A_128 : i32
      %lt3A_130 = arith.constant 125 : i32
      %lt3A_131 = arith.cmpi slt, %add3A_129, %lt3A_130 : i32
      %convert_element_type3A_132 = arith.extui %lt3A_131 : i1 to i32
      %cond3A_133 = arith.constant 0 : i32
      %cond3A_134 = arith.cmpi ne, %convert_element_type3A_132, %cond3A_133 : i32
      scf.if %cond3A_134 {
        %add3A_135 = arith.constant 3 : i32
        %add3A_136 = arith.addi %add3A_103, %add3A_135 : i32
        %mul3A_137 = arith.constant 80 : i32
        %mul3A_138 = arith.muli %add3A_136, %mul3A_137 : i32
        %dma_start3A_139 = tpu.memref_slice %arg6[%mul3A_138] : memref<10000xi32, #tpu.memory_space<vmem>> -> memref<80xi32, #tpu.memory_space<vmem>>
        %dma_start3A_140 = arith.constant 0 : i32
        %dma_start3A_141 = arith.constant 0 : i32
        %dma_start3A_142 = tpu.memref_slice %arg2[%dma_start3A_140, %dma_start3A_141] : memref<10000x128xf32, #tpu.memory_space<hbm>> -> memref<10000x128xf32, #tpu.memory_space<hbm>>
        tpu.enqueue_indirect_dma source(%dma_start3A_142 : memref<10000x128xf32, #tpu.memory_space<hbm>>) target(%arg9 : memref<80x128xf32, #tpu.memory_space<vmem>>) offsets(%dma_start3A_139 : memref<80xi32, #tpu.memory_space<vmem>>) semaphore(%arg13 : memref<!tpu.dma_semaphore, #tpu.memory_space<semaphore_mem>>)
      } else {
      }
    }
    %scan3A_85 = arith.constant 62 : i32
    %dma_wait3A_86 = arith.constant 9920 : i32
    %dma_wait3A_87 = tpu.memref_slice %arg6[%dma_wait3A_86] : memref<10000xi32, #tpu.memory_space<vmem>> -> memref<80xi32, #tpu.memory_space<vmem>>
    %dma_wait3A_88 = arith.constant 0 : i32
    %dma_wait3A_89 = arith.constant 0 : i32
    %dma_wait3A_90 = tpu.memref_slice %arg2[%dma_wait3A_88, %dma_wait3A_89] : memref<10000x128xf32, #tpu.memory_space<hbm>> -> memref<10000x128xf32, #tpu.memory_space<hbm>>
    tpu.wait_indirect_dma semaphore(%arg12 : memref<!tpu.dma_semaphore, #tpu.memory_space<semaphore_mem>>) src(%dma_wait3A_90 : memref<10000x128xf32, #tpu.memory_space<hbm>>) dst(%arg8 : memref<80x128xf32, #tpu.memory_space<vmem>>)
    %run_scoped3A = arith.constant 124 : i32
    "tpu.region"() ({
      %run_scoped3A_99 = tpu.sem_alloc : memref<!tpu.dma_semaphore, #tpu.memory_space<semaphore_mem>>
      %dma_start3A_100 = arith.constant 0 : i32
      %dma_start3A_101 = tpu.memref_slice %arg7[%run_scoped3A, %dma_start3A_100] : memref<125x80xi32, #tpu.memory_space<vmem>> -> memref<1x80xi32, #tpu.memory_space<vmem>>
      %dma_start3A_102 = tpu.memref_squeeze %dma_start3A_101 : memref<1x80xi32, #tpu.memory_space<vmem>> -> memref<80xi32, #tpu.memory_space<vmem>>
      %dma_start3A_103 = arith.constant 0 : i32
      %dma_start3A_104 = arith.constant 0 : i32
      %dma_start3A_105 = tpu.memref_slice %arg11[%dma_start3A_103, %dma_start3A_104] : memref<10000x128xf32, #tpu.memory_space<vmem_shared>> -> memref<10000x128xf32, #tpu.memory_space<vmem_shared>>
      tpu.enqueue_indirect_dma source(%arg8 : memref<80x128xf32, #tpu.memory_space<vmem>>) target(%dma_start3A_105 : memref<10000x128xf32, #tpu.memory_space<vmem_shared>>) offsets(%dma_start3A_102 : memref<80xi32, #tpu.memory_space<vmem>>) semaphore(%run_scoped3A_99 : memref<!tpu.dma_semaphore, #tpu.memory_space<semaphore_mem>>) {add = true}
      %dma_wait3A_106 = arith.constant 0 : i32
      %dma_wait3A_107 = tpu.memref_slice %arg7[%run_scoped3A, %dma_wait3A_106] : memref<125x80xi32, #tpu.memory_space<vmem>> -> memref<1x80xi32, #tpu.memory_space<vmem>>
      %dma_wait3A_108 = tpu.memref_squeeze %dma_wait3A_107 : memref<1x80xi32, #tpu.memory_space<vmem>> -> memref<80xi32, #tpu.memory_space<vmem>>
      %dma_wait3A_109 = arith.constant 0 : i32
      %dma_wait3A_110 = arith.constant 0 : i32
      %dma_wait3A_111 = tpu.memref_slice %arg11[%dma_wait3A_109, %dma_wait3A_110] : memref<10000x128xf32, #tpu.memory_space<vmem_shared>> -> memref<10000x128xf32, #tpu.memory_space<vmem_shared>>
      tpu.wait_indirect_dma semaphore(%run_scoped3A_99 : memref<!tpu.dma_semaphore, #tpu.memory_space<semaphore_mem>>) src(%arg8 : memref<80x128xf32, #tpu.memory_space<vmem>>) dst(%dma_wait3A_111 : memref<10000x128xf32, #tpu.memory_space<vmem_shared>>)
      tpu.yield
    }) : () -> ()
    %barrier3A_91 = arith.constant 0 : index
    tpu.barrier barrier_id(%barrier3A_91)
    %lt3A = arith.constant 15 : i32
    %lt3A_92 = arith.cmpi slt, %arg1, %lt3A : i32
    %convert_element_type3A = arith.extui %lt3A_92 : i1 to i32
    %cond3A = arith.constant 0 : i32
    %cond3A_93 = arith.cmpi ne, %convert_element_type3A, %cond3A : i32
    scf.if %cond3A_93 {
      "tpu.region"() ({
        %run_scoped3A_99 = tpu.sem_alloc : memref<!tpu.dma_semaphore, #tpu.memory_space<semaphore_mem>>
        %dma_start3A_100 = arith.constant 0 : i32
        %dma_start3A_101 = tpu.memref_slice %arg5[%arg0, %mul3A_20, %dma_start3A_100] : memref<2x10000x128xf32, #tpu.memory_space<hbm>> -> memref<1x624x128xf32, #tpu.memory_space<hbm>>
        %dma_start3A_102 = tpu.memref_squeeze %dma_start3A_101 : memref<1x624x128xf32, #tpu.memory_space<hbm>> -> memref<624x128xf32, #tpu.memory_space<hbm>>
        %dma_start3A_103 = arith.constant 0 : i32
        %dma_start3A_104 = tpu.memref_slice %arg11[%mul3A_20, %dma_start3A_103] : memref<10000x128xf32, #tpu.memory_space<vmem_shared>> -> memref<624x128xf32, #tpu.memory_space<vmem_shared>>
        tpu.enqueue_dma source(%dma_start3A_104 : memref<624x128xf32, #tpu.memory_space<vmem_shared>>) target(%dma_start3A_102 : memref<624x128xf32, #tpu.memory_space<hbm>>) target_semaphore(%run_scoped3A_99 : memref<!tpu.dma_semaphore, #tpu.memory_space<semaphore_mem>>)
        %dma_wait3A_105 = arith.constant 0 : i32
        %dma_wait3A_106 = tpu.memref_slice %arg5[%arg0, %mul3A_20, %dma_wait3A_105] : memref<2x10000x128xf32, #tpu.memory_space<hbm>> -> memref<1x624x128xf32, #tpu.memory_space<hbm>>
        %dma_wait3A_107 = tpu.memref_squeeze %dma_wait3A_106 : memref<1x624x128xf32, #tpu.memory_space<hbm>> -> memref<624x128xf32, #tpu.memory_space<hbm>>
        %dma_wait3A_108 = arith.constant 0 : i32
        %dma_wait3A_109 = tpu.memref_slice %arg11[%mul3A_20, %dma_wait3A_108] : memref<10000x128xf32, #tpu.memory_space<vmem_shared>> -> memref<624x128xf32, #tpu.memory_space<vmem_shared>>
        tpu.wait_dma2 semaphore(%run_scoped3A_99 : memref<!tpu.dma_semaphore, #tpu.memory_space<semaphore_mem>>) src(%dma_wait3A_109 : memref<624x128xf32, #tpu.memory_space<vmem_shared>>) dst(%dma_wait3A_107 : memref<624x128xf32, #tpu.memory_space<hbm>>)
        tpu.yield
      }) : () -> ()
    } else {
    }
    %eq3A_94 = arith.constant 15 : i32
    %eq3A_95 = arith.cmpi eq, %arg1, %eq3A_94 : i32
    %convert_element_type3A_96 = arith.extui %eq3A_95 : i1 to i32
    %cond3A_97 = arith.constant 0 : i32
    %cond3A_98 = arith.cmpi ne, %convert_element_type3A_96, %cond3A_97 : i32
    scf.if %cond3A_98 {
      "tpu.region"() ({
        %run_scoped3A_99 = tpu.sem_alloc : memref<!tpu.dma_semaphore, #tpu.memory_space<semaphore_mem>>
        %dma_start3A_100 = arith.constant 0 : i32
        %dma_start3A_101 = tpu.memref_slice %arg5[%arg0, %mul3A_20, %dma_start3A_100] : memref<2x10000x128xf32, #tpu.memory_space<hbm>> -> memref<1x640x128xf32, #tpu.memory_space<hbm>>
        %dma_start3A_102 = tpu.memref_squeeze %dma_start3A_101 : memref<1x640x128xf32, #tpu.memory_space<hbm>> -> memref<640x128xf32, #tpu.memory_space<hbm>>
        %dma_start3A_103 = arith.constant 0 : i32
        %dma_start3A_104 = tpu.memref_slice %arg11[%mul3A_20, %dma_start3A_103] : memref<10000x128xf32, #tpu.memory_space<vmem_shared>> -> memref<640x128xf32, #tpu.memory_space<vmem_shared>>
        tpu.enqueue_dma source(%dma_start3A_104 : memref<640x128xf32, #tpu.memory_space<vmem_shared>>) target(%dma_start3A_102 : memref<640x128xf32, #tpu.memory_space<hbm>>) target_semaphore(%run_scoped3A_99 : memref<!tpu.dma_semaphore, #tpu.memory_space<semaphore_mem>>)
        %dma_wait3A_105 = arith.constant 0 : i32
        %dma_wait3A_106 = tpu.memref_slice %arg5[%arg0, %mul3A_20, %dma_wait3A_105] : memref<2x10000x128xf32, #tpu.memory_space<hbm>> -> memref<1x640x128xf32, #tpu.memory_space<hbm>>
        %dma_wait3A_107 = tpu.memref_squeeze %dma_wait3A_106 : memref<1x640x128xf32, #tpu.memory_space<hbm>> -> memref<640x128xf32, #tpu.memory_space<hbm>>
        %dma_wait3A_108 = arith.constant 0 : i32
        %dma_wait3A_109 = tpu.memref_slice %arg11[%mul3A_20, %dma_wait3A_108] : memref<10000x128xf32, #tpu.memory_space<vmem_shared>> -> memref<640x128xf32, #tpu.memory_space<vmem_shared>>
        tpu.wait_dma2 semaphore(%run_scoped3A_99 : memref<!tpu.dma_semaphore, #tpu.memory_space<semaphore_mem>>) src(%dma_wait3A_109 : memref<640x128xf32, #tpu.memory_space<vmem_shared>>) dst(%dma_wait3A_107 : memref<640x128xf32, #tpu.memory_space<hbm>>)
        tpu.yield
      }) : () -> ()
    } else {
    }
    return
  }
}

#map = affine_map<(d0, d1) -> (0, 0)>
#map1 = affine_map<(d0, d1) -> (0, 0, 0)>
module attributes {stable_mosaic.version = 14 : i64} {
  func.func @_seg_sum_body(%arg0: i32, %arg1: i32, %arg2: memref<10000x128xf32, #tpu.memory_space<hbm>>, %arg3: memref<32x10000xi32, #tpu.memory_space<hbm>>, %arg4: memref<32x125x80xi32, #tpu.memory_space<hbm>>, %arg5: memref<2x10000x128xf32, #tpu.memory_space<hbm>>, %arg6: memref<10000xi32, #tpu.memory_space<vmem>>, %arg7: memref<125x80xi32, #tpu.memory_space<vmem>>, %arg8: memref<80x128xf32, #tpu.memory_space<vmem>>, %arg9: memref<80x128xf32, #tpu.memory_space<vmem>>, %arg10: memref<8x128xf32, #tpu.memory_space<vmem>>, %arg11: memref<10000x128xf32, #tpu.memory_space<vmem_shared>>, %arg12: memref<!tpu.dma_semaphore, #tpu.memory_space<semaphore_mem>>, %arg13: memref<!tpu.dma_semaphore, #tpu.memory_space<semaphore_mem>>, %arg14: memref<!tpu.dma_semaphore, #tpu.memory_space<semaphore_mem>>) attributes {dimension_semantics = [#tpu.dimension_semantics<core_parallel>, #tpu.dimension_semantics<subcore_parallel>], iteration_bounds = array<i64: 2, 16>, scalar_prefetch = 0 : i64, scratch_operands = 9 : i64, tpu.core_type = #tpu.core_type<sc_vector_subcore>, window_params = [{transform_indices = #map}, {transform_indices = #map}, {transform_indices = #map1}, {transform_indices = #map1}]} {
    %mul3A = arith.constant 2 : i32
    %mul3A_0 = arith.muli %arg1, %mul3A : i32
    %add3A = arith.addi %mul3A_0, %arg0 : i32
    %dma_start3A = arith.constant 0 : i32
    %dma_start3A_1 = tpu.memref_slice %arg3[%add3A, %dma_start3A] : memref<32x10000xi32, #tpu.memory_space<hbm>> -> memref<1x10000xi32, #tpu.memory_space<hbm>>
    %dma_start3A_2 = tpu.memref_squeeze %dma_start3A_1 : memref<1x10000xi32, #tpu.memory_space<hbm>> -> memref<10000xi32, #tpu.memory_space<hbm>>
    %dma_start3A_3 = arith.constant 0 : i32
    %dma_start3A_4 = tpu.memref_slice %arg3[%add3A, %dma_start3A_3] : memref<32x10000xi32, #tpu.memory_space<hbm>> -> memref<1x10000xi32, #tpu.memory_space<hbm>>
    %dma_start3A_5 = tpu.memref_squeeze %dma_start3A_4 : memref<1x10000xi32, #tpu.memory_space<hbm>> -> memref<10000xi32, #tpu.memory_space<hbm>>
    tpu.enqueue_dma source(%dma_start3A_5 : memref<10000xi32, #tpu.memory_space<hbm>>) target(%arg6 : memref<10000xi32, #tpu.memory_space<vmem>>) target_semaphore(%arg12 : memref<!tpu.dma_semaphore, #tpu.memory_space<semaphore_mem>>)
    %dma_start3A_6 = arith.constant 0 : i32
    %dma_start3A_7 = arith.constant 0 : i32
    %dma_start3A_8 = tpu.memref_slice %arg4[%add3A, %dma_start3A_6, %dma_start3A_7] : memref<32x125x80xi32, #tpu.memory_space<hbm>> -> memref<1x125x80xi32, #tpu.memory_space<hbm>>
    %dma_start3A_9 = tpu.memref_squeeze %dma_start3A_8 : memref<1x125x80xi32, #tpu.memory_space<hbm>> -> memref<125x80xi32, #tpu.memory_space<hbm>>
    %dma_start3A_10 = arith.constant 0 : i32
    %dma_start3A_11 = arith.constant 0 : i32
    %dma_start3A_12 = tpu.memref_slice %arg4[%add3A, %dma_start3A_10, %dma_start3A_11] : memref<32x125x80xi32, #tpu.memory_space<hbm>> -> memref<1x125x80xi32, #tpu.memory_space<hbm>>
    %dma_start3A_13 = tpu.memref_squeeze %dma_start3A_12 : memref<1x125x80xi32, #tpu.memory_space<hbm>> -> memref<125x80xi32, #tpu.memory_space<hbm>>
    tpu.enqueue_dma source(%dma_start3A_13 : memref<125x80xi32, #tpu.memory_space<hbm>>) target(%arg7 : memref<125x80xi32, #tpu.memory_space<vmem>>) target_semaphore(%arg13 : memref<!tpu.dma_semaphore, #tpu.memory_space<semaphore_mem>>)
    %broadcast_in_dim3A = arith.constant 0.000000e+00 : f32
    %broadcast_in_dim3A_14 = vector.broadcast %broadcast_in_dim3A : f32 to vector<16xf32>
    %scan3A = arith.constant 0 : i32
    %scan3A_15 = arith.constant 8 : i32
    %scan3A_16 = arith.addi %scan3A, %scan3A_15 : i32
    %scan3A_17 = arith.constant 1 : i32
    scf.for %scan3A_99 = %scan3A to %scan3A_16 step %scan3A_17  : i32 {
      %mul3A_100 = arith.constant 1 : i32
      %mul3A_101 = arith.muli %scan3A_99, %mul3A_100 : i32
      %add3A_102 = arith.constant 0 : i32
      %add3A_103 = arith.addi %add3A_102, %mul3A_101 : i32
      %swap3A = arith.index_cast %add3A_103 : i32 to index
      %swap3A_104 = arith.constant 0 : index
      %swap3A_105 = tpu.vector_load %arg10[%swap3A, %swap3A_104] {strides = array<i32>} : memref<8x128xf32, #tpu.memory_space<vmem>>, vector<1x16xf32>,
      %swap3A_106 = vector.shape_cast %swap3A_105 : vector<1x16xf32> to vector<16xf32>
      %swap3A_107 = vector.shape_cast %broadcast_in_dim3A_14 : vector<16xf32> to vector<1x16xf32>
      tpu.vector_store %arg10[%swap3A, %swap3A_104], %swap3A_107 {strides = array<i32>} : memref<8x128xf32, #tpu.memory_space<vmem>>, vector<1x16xf32>,
      %swap3A_108 = arith.index_cast %add3A_103 : i32 to index
      %swap3A_109 = arith.constant 16 : index
      %swap3A_110 = tpu.vector_load %arg10[%swap3A_108, %swap3A_109] {strides = array<i32>} : memref<8x128xf32, #tpu.memory_space<vmem>>, vector<1x16xf32>,
      %swap3A_111 = vector.shape_cast %swap3A_110 : vector<1x16xf32> to vector<16xf32>
      %swap3A_112 = vector.shape_cast %broadcast_in_dim3A_14 : vector<16xf32> to vector<1x16xf32>
      tpu.vector_store %arg10[%swap3A_108, %swap3A_109], %swap3A_112 {strides = array<i32>} : memref<8x128xf32, #tpu.memory_space<vmem>>, vector<1x16xf32>,
      %swap3A_113 = arith.index_cast %add3A_103 : i32 to index
      %swap3A_114 = arith.constant 32 : index
      %swap3A_115 = tpu.vector_load %arg10[%swap3A_113, %swap3A_114] {strides = array<i32>} : memref<8x128xf32, #tpu.memory_space<vmem>>, vector<1x16xf32>,
      %swap3A_116 = vector.shape_cast %swap3A_115 : vector<1x16xf32> to vector<16xf32>
      %swap3A_117 = vector.shape_cast %broadcast_in_dim3A_14 : vector<16xf32> to vector<1x16xf32>
      tpu.vector_store %arg10[%swap3A_113, %swap3A_114], %swap3A_117 {strides = array<i32>} : memref<8x128xf32, #tpu.memory_space<vmem>>, vector<1x16xf32>,
      %swap3A_118 = arith.index_cast %add3A_103 : i32 to index
      %swap3A_119 = arith.constant 48 : index
      %swap3A_120 = tpu.vector_load %arg10[%swap3A_118, %swap3A_119] {strides = array<i32>} : memref<8x128xf32, #tpu.memory_space<vmem>>, vector<1x16xf32>,
      %swap3A_121 = vector.shape_cast %swap3A_120 : vector<1x16xf32> to vector<16xf32>
      %swap3A_122 = vector.shape_cast %broadcast_in_dim3A_14 : vector<16xf32> to vector<1x16xf32>
      tpu.vector_store %arg10[%swap3A_118, %swap3A_119], %swap3A_122 {strides = array<i32>} : memref<8x128xf32, #tpu.memory_space<vmem>>, vector<1x16xf32>,
      %swap3A_123 = arith.index_cast %add3A_103 : i32 to index
      %swap3A_124 = arith.constant 64 : index
      %swap3A_125 = tpu.vector_load %arg10[%swap3A_123, %swap3A_124] {strides = array<i32>} : memref<8x128xf32, #tpu.memory_space<vmem>>, vector<1x16xf32>,
      %swap3A_126 = vector.shape_cast %swap3A_125 : vector<1x16xf32> to vector<16xf32>
      %swap3A_127 = vector.shape_cast %broadcast_in_dim3A_14 : vector<16xf32> to vector<1x16xf32>
      tpu.vector_store %arg10[%swap3A_123, %swap3A_124], %swap3A_127 {strides = array<i32>} : memref<8x128xf32, #tpu.memory_space<vmem>>, vector<1x16xf32>,
      %swap3A_128 = arith.index_cast %add3A_103 : i32 to index
      %swap3A_129 = arith.constant 80 : index
      %swap3A_130 = tpu.vector_load %arg10[%swap3A_128, %swap3A_129] {strides = array<i32>} : memref<8x128xf32, #tpu.memory_space<vmem>>, vector<1x16xf32>,
      %swap3A_131 = vector.shape_cast %swap3A_130 : vector<1x16xf32> to vector<16xf32>
      %swap3A_132 = vector.shape_cast %broadcast_in_dim3A_14 : vector<16xf32> to vector<1x16xf32>
      tpu.vector_store %arg10[%swap3A_128, %swap3A_129], %swap3A_132 {strides = array<i32>} : memref<8x128xf32, #tpu.memory_space<vmem>>, vector<1x16xf32>,
      %swap3A_133 = arith.index_cast %add3A_103 : i32 to index
      %swap3A_134 = arith.constant 96 : index
      %swap3A_135 = tpu.vector_load %arg10[%swap3A_133, %swap3A_134] {strides = array<i32>} : memref<8x128xf32, #tpu.memory_space<vmem>>, vector<1x16xf32>,
      %swap3A_136 = vector.shape_cast %swap3A_135 : vector<1x16xf32> to vector<16xf32>
      %swap3A_137 = vector.shape_cast %broadcast_in_dim3A_14 : vector<16xf32> to vector<1x16xf32>
      tpu.vector_store %arg10[%swap3A_133, %swap3A_134], %swap3A_137 {strides = array<i32>} : memref<8x128xf32, #tpu.memory_space<vmem>>, vector<1x16xf32>,
      %swap3A_138 = arith.index_cast %add3A_103 : i32 to index
      %swap3A_139 = arith.constant 112 : index
      %swap3A_140 = tpu.vector_load %arg10[%swap3A_138, %swap3A_139] {strides = array<i32>} : memref<8x128xf32, #tpu.memory_space<vmem>>, vector<1x16xf32>,
      %swap3A_141 = vector.shape_cast %swap3A_140 : vector<1x16xf32> to vector<16xf32>
      %swap3A_142 = vector.shape_cast %broadcast_in_dim3A_14 : vector<16xf32> to vector<1x16xf32>
      tpu.vector_store %arg10[%swap3A_138, %swap3A_139], %swap3A_142 {strides = array<i32>} : memref<8x128xf32, #tpu.memory_space<vmem>>, vector<1x16xf32>,
    }
    %scan3A_18 = arith.constant 8 : i32
    %mul3A_19 = arith.constant 624 : i32
    %mul3A_20 = arith.muli %arg1, %mul3A_19 : i32
    %eq3A = arith.constant 15 : i32
    %eq3A_21 = arith.cmpi eq, %arg1, %eq3A : i32
    %jit3A = arith.constant 80 : i32
    %jit3A_22 = arith.constant 78 : i32
    %select_n3A = arith.select %eq3A_21, %jit3A, %jit3A_22 : i32
    %sub3A = arith.constant 0 : i32
    %sub3A_23 = arith.subi %select_n3A, %sub3A : i32
    %sub3A_24 = arith.constant 1 : i32
    %sub3A_25 = arith.constant 1 : i32
    %sub3A_26 = arith.subi %sub3A_24, %sub3A_25 : i32
    %add3A_27 = arith.addi %sub3A_23, %sub3A_26 : i32
    %div3A = arith.constant 1 : i32
    %div3A_28 = arith.divsi %add3A_27, %div3A : i32
    %while3A = arith.constant 1 : i32
    %while3A_29 = arith.constant 0 : i32
    %while3A_30 = arith.constant 0 : i32
    %while3A_31 = arith.subi %div3A_28, %while3A_30 : i32
    %while3A_32 = arith.addi %while3A_30, %while3A_31 : i32
    %while3A_33 = arith.constant 1 : i32
    %while3A_34 = arith.divsi %while3A_31, %while3A_33 : i32
    %while3A_35 = arith.muli %while3A_34, %while3A_33 : i32
    %while3A_36 = arith.addi %while3A_30, %while3A_35 : i32
    %while3A_37 = arith.constant 1 : i32
    scf.for %while3A_99 = %while3A_30 to %while3A_36 step %while3A_37  : i32 {
      %mul3A_100 = arith.muli %while3A_99, %while3A : i32
      %add3A_101 = arith.addi %while3A_29, %mul3A_100 : i32
      %mul3A_102 = arith.constant 8 : i32
      %mul3A_103 = arith.muli %add3A_101, %mul3A_102 : i32
      %add3A_104 = arith.addi %mul3A_20, %mul3A_103 : i32
      %dma_start3A_105 = arith.constant 0 : i32
      %dma_start3A_106 = tpu.memref_slice %arg11[%add3A_104, %dma_start3A_105] : memref<10000x128xf32, #tpu.memory_space<vmem_shared>> -> memref<8x128xf32, #tpu.memory_space<vmem_shared>>
      %dma_start3A_107 = arith.constant 0 : i32
      %dma_start3A_108 = tpu.memref_slice %arg11[%add3A_104, %dma_start3A_107] : memref<10000x128xf32, #tpu.memory_space<vmem_shared>> -> memref<8x128xf32, #tpu.memory_space<vmem_shared>>
      tpu.enqueue_dma source(%arg10 : memref<8x128xf32, #tpu.memory_space<vmem>>) target(%dma_start3A_108 : memref<8x128xf32, #tpu.memory_space<vmem_shared>>) target_semaphore(%arg14 : memref<!tpu.dma_semaphore, #tpu.memory_space<semaphore_mem>>)
    }
    %while3A_38 = arith.constant 1 : i32
    scf.for %while3A_99 = %while3A_36 to %while3A_32 step %while3A_38  : i32 {
      %mul3A_100 = arith.muli %while3A_99, %while3A : i32
      %add3A_101 = arith.addi %while3A_29, %mul3A_100 : i32
      %mul3A_102 = arith.constant 8 : i32
      %mul3A_103 = arith.muli %add3A_101, %mul3A_102 : i32
      %add3A_104 = arith.addi %mul3A_20, %mul3A_103 : i32
      %dma_start3A_105 = arith.constant 0 : i32
      %dma_start3A_106 = tpu.memref_slice %arg11[%add3A_104, %dma_start3A_105] : memref<10000x128xf32, #tpu.memory_space<vmem_shared>> -> memref<8x128xf32, #tpu.memory_space<vmem_shared>>
      %dma_start3A_107 = arith.constant 0 : i32
      %dma_start3A_108 = tpu.memref_slice %arg11[%add3A_104, %dma_start3A_107] : memref<10000x128xf32, #tpu.memory_space<vmem_shared>> -> memref<8x128xf32, #tpu.memory_space<vmem_shared>>
      tpu.enqueue_dma source(%arg10 : memref<8x128xf32, #tpu.memory_space<vmem>>) target(%dma_start3A_108 : memref<8x128xf32, #tpu.memory_space<vmem_shared>>) target_semaphore(%arg14 : memref<!tpu.dma_semaphore, #tpu.memory_space<semaphore_mem>>)
    }
    %dma_wait3A = arith.constant 0 : i32
    %dma_wait3A_39 = tpu.memref_slice %arg3[%add3A, %dma_wait3A] : memref<32x10000xi32, #tpu.memory_space<hbm>> -> memref<1x10000xi32, #tpu.memory_space<hbm>>
    %dma_wait3A_40 = tpu.memref_squeeze %dma_wait3A_39 : memref<1x10000xi32, #tpu.memory_space<hbm>> -> memref<10000xi32, #tpu.memory_space<hbm>>
    %dma_wait3A_41 = arith.constant 0 : i32
    %dma_wait3A_42 = tpu.memref_slice %arg3[%add3A, %dma_wait3A_41] : memref<32x10000xi32, #tpu.memory_space<hbm>> -> memref<1x10000xi32, #tpu.memory_space<hbm>>
    %dma_wait3A_43 = tpu.memref_squeeze %dma_wait3A_42 : memref<1x10000xi32, #tpu.memory_space<hbm>> -> memref<10000xi32, #tpu.memory_space<hbm>>
    tpu.wait_dma2 semaphore(%arg12 : memref<!tpu.dma_semaphore, #tpu.memory_space<semaphore_mem>>) src(%dma_wait3A_43 : memref<10000xi32, #tpu.memory_space<hbm>>) dst(%arg6 : memref<10000xi32, #tpu.memory_space<vmem>>)
    %dma_wait3A_44 = arith.constant 0 : i32
    %dma_wait3A_45 = arith.constant 0 : i32
    %dma_wait3A_46 = tpu.memref_slice %arg4[%add3A, %dma_wait3A_44, %dma_wait3A_45] : memref<32x125x80xi32, #tpu.memory_space<hbm>> -> memref<1x125x80xi32, #tpu.memory_space<hbm>>
    %dma_wait3A_47 = tpu.memref_squeeze %dma_wait3A_46 : memref<1x125x80xi32, #tpu.memory_space<hbm>> -> memref<125x80xi32, #tpu.memory_space<hbm>>
    %dma_wait3A_48 = arith.constant 0 : i32
    %dma_wait3A_49 = arith.constant 0 : i32
    %dma_wait3A_50 = tpu.memref_slice %arg4[%add3A, %dma_wait3A_48, %dma_wait3A_49] : memref<32x125x80xi32, #tpu.memory_space<hbm>> -> memref<1x125x80xi32, #tpu.memory_space<hbm>>
    %dma_wait3A_51 = tpu.memref_squeeze %dma_wait3A_50 : memref<1x125x80xi32, #tpu.memory_space<hbm>> -> memref<125x80xi32, #tpu.memory_space<hbm>>
    tpu.wait_dma2 semaphore(%arg13 : memref<!tpu.dma_semaphore, #tpu.memory_space<semaphore_mem>>) src(%dma_wait3A_51 : memref<125x80xi32, #tpu.memory_space<hbm>>) dst(%arg7 : memref<125x80xi32, #tpu.memory_space<vmem>>)
    %dma_start3A_52 = arith.constant 0 : i32
    %dma_start3A_53 = tpu.memref_slice %arg6[%dma_start3A_52] : memref<10000xi32, #tpu.memory_space<vmem>> -> memref<80xi32, #tpu.memory_space<vmem>>
    %dma_start3A_54 = arith.constant 0 : i32
    %dma_start3A_55 = arith.constant 0 : i32
    %dma_start3A_56 = tpu.memref_slice %arg2[%dma_start3A_54, %dma_start3A_55] : memref<10000x128xf32, #tpu.memory_space<hbm>> -> memref<10000x128xf32, #tpu.memory_space<hbm>>
    tpu.enqueue_indirect_dma source(%dma_start3A_56 : memref<10000x128xf32, #tpu.memory_space<hbm>>) target(%arg8 : memref<80x128xf32, #tpu.memory_space<vmem>>) offsets(%dma_start3A_53 : memref<80xi32, #tpu.memory_space<vmem>>) semaphore(%arg12 : memref<!tpu.dma_semaphore, #tpu.memory_space<semaphore_mem>>)
    %dma_start3A_57 = arith.constant 80 : i32
    %dma_start3A_58 = tpu.memref_slice %arg6[%dma_start3A_57] : memref<10000xi32, #tpu.memory_space<vmem>> -> memref<80xi32, #tpu.memory_space<vmem>>
    %dma_start3A_59 = arith.constant 0 : i32
    %dma_start3A_60 = arith.constant 0 : i32
    %dma_start3A_61 = tpu.memref_slice %arg2[%dma_start3A_59, %dma_start3A_60] : memref<10000x128xf32, #tpu.memory_space<hbm>> -> memref<10000x128xf32, #tpu.memory_space<hbm>>
    tpu.enqueue_indirect_dma source(%dma_start3A_61 : memref<10000x128xf32, #tpu.memory_space<hbm>>) target(%arg9 : memref<80x128xf32, #tpu.memory_space<vmem>>) offsets(%dma_start3A_58 : memref<80xi32, #tpu.memory_space<vmem>>) semaphore(%arg13 : memref<!tpu.dma_semaphore, #tpu.memory_space<semaphore_mem>>)
    %sub3A_62 = arith.constant 0 : i32
    %sub3A_63 = arith.subi %select_n3A, %sub3A_62 : i32
    %sub3A_64 = arith.constant 1 : i32
    %sub3A_65 = arith.constant 1 : i32
    %sub3A_66 = arith.subi %sub3A_64, %sub3A_65 : i32
    %add3A_67 = arith.addi %sub3A_63, %sub3A_66 : i32
    %div3A_68 = arith.constant 1 : i32
    %div3A_69 = arith.divsi %add3A_67, %div3A_68 : i32
    %while3A_70 = arith.constant 1 : i32
    %while3A_71 = arith.constant 0 : i32
    %while3A_72 = arith.constant 0 : i32
    %while3A_73 = arith.subi %div3A_69, %while3A_72 : i32
    %while3A_74 = arith.addi %while3A_72, %while3A_73 : i32
    %while3A_75 = arith.constant 1 : i32
    %while3A_76 = arith.divsi %while3A_73, %while3A_75 : i32
    %while3A_77 = arith.muli %while3A_76, %while3A_75 : i32
    %while3A_78 = arith.addi %while3A_72, %while3A_77 : i32
    %while3A_79 = arith.constant 1 : i32
    scf.for %while3A_99 = %while3A_72 to %while3A_78 step %while3A_79  : i32 {
      %mul3A_100 = arith.muli %while3A_99, %while3A_70 : i32
      %add3A_101 = arith.addi %while3A_71, %mul3A_100 : i32
      %mul3A_102 = arith.constant 8 : i32
      %mul3A_103 = arith.muli %add3A_101, %mul3A_102 : i32
      %add3A_104 = arith.addi %mul3A_20, %mul3A_103 : i32
      %dma_wait3A_105 = arith.constant 0 : i32
      %dma_wait3A_106 = tpu.memref_slice %arg11[%add3A_104, %dma_wait3A_105] : memref<10000x128xf32, #tpu.memory_space<vmem_shared>> -> memref<8x128xf32, #tpu.memory_space<vmem_shared>>
      %dma_wait3A_107 = arith.constant 0 : i32
      %dma_wait3A_108 = tpu.memref_slice %arg11[%add3A_104, %dma_wait3A_107] : memref<10000x128xf32, #tpu.memory_space<vmem_shared>> -> memref<8x128xf32, #tpu.memory_space<vmem_shared>>
      tpu.wait_dma2 semaphore(%arg14 : memref<!tpu.dma_semaphore, #tpu.memory_space<semaphore_mem>>) src(%arg10 : memref<8x128xf32, #tpu.memory_space<vmem>>) dst(%dma_wait3A_108 : memref<8x128xf32, #tpu.memory_space<vmem_shared>>)
    }
    %while3A_80 = arith.constant 1 : i32
    scf.for %while3A_99 = %while3A_78 to %while3A_74 step %while3A_80  : i32 {
      %mul3A_100 = arith.muli %while3A_99, %while3A_70 : i32
      %add3A_101 = arith.addi %while3A_71, %mul3A_100 : i32
      %mul3A_102 = arith.constant 8 : i32
      %mul3A_103 = arith.muli %add3A_101, %mul3A_102 : i32
      %add3A_104 = arith.addi %mul3A_20, %mul3A_103 : i32
      %dma_wait3A_105 = arith.constant 0 : i32
      %dma_wait3A_106 = tpu.memref_slice %arg11[%add3A_104, %dma_wait3A_105] : memref<10000x128xf32, #tpu.memory_space<vmem_shared>> -> memref<8x128xf32, #tpu.memory_space<vmem_shared>>
      %dma_wait3A_107 = arith.constant 0 : i32
      %dma_wait3A_108 = tpu.memref_slice %arg11[%add3A_104, %dma_wait3A_107] : memref<10000x128xf32, #tpu.memory_space<vmem_shared>> -> memref<8x128xf32, #tpu.memory_space<vmem_shared>>
      tpu.wait_dma2 semaphore(%arg14 : memref<!tpu.dma_semaphore, #tpu.memory_space<semaphore_mem>>) src(%arg10 : memref<8x128xf32, #tpu.memory_space<vmem>>) dst(%dma_wait3A_108 : memref<8x128xf32, #tpu.memory_space<vmem_shared>>)
    }
    %barrier3A = arith.constant 0 : index
    tpu.barrier barrier_id(%barrier3A)
    %scan3A_81 = arith.constant 0 : i32
    %scan3A_82 = arith.constant 62 : i32
    %scan3A_83 = arith.addi %scan3A_81, %scan3A_82 : i32
    %scan3A_84 = arith.constant 1 : i32
    scf.for %scan3A_99 = %scan3A_81 to %scan3A_83 step %scan3A_84  : i32 {
      %mul3A_100 = arith.constant 2 : i32
      %mul3A_101 = arith.muli %scan3A_99, %mul3A_100 : i32
      %add3A_102 = arith.constant 0 : i32
      %add3A_103 = arith.addi %add3A_102, %mul3A_101 : i32
      %mul3A_104 = arith.constant 80 : i32
      %mul3A_105 = arith.muli %add3A_103, %mul3A_104 : i32
      %dma_wait3A_106 = tpu.memref_slice %arg6[%mul3A_105] : memref<10000xi32, #tpu.memory_space<vmem>> -> memref<80xi32, #tpu.memory_space<vmem>>
      %dma_wait3A_107 = arith.constant 0 : i32
      %dma_wait3A_108 = arith.constant 0 : i32
      %dma_wait3A_109 = tpu.memref_slice %arg2[%dma_wait3A_107, %dma_wait3A_108] : memref<10000x128xf32, #tpu.memory_space<hbm>> -> memref<10000x128xf32, #tpu.memory_space<hbm>>
      tpu.wait_indirect_dma semaphore(%arg12 : memref<!tpu.dma_semaphore, #tpu.memory_space<semaphore_mem>>) src(%dma_wait3A_109 : memref<10000x128xf32, #tpu.memory_space<hbm>>) dst(%arg8 : memref<80x128xf32, #tpu.memory_space<vmem>>)
      "tpu.region"() ({
        %run_scoped3A_135 = tpu.sem_alloc : memref<!tpu.dma_semaphore, #tpu.memory_space<semaphore_mem>>
        %dma_start3A_136 = arith.constant 0 : i32
        %dma_start3A_137 = tpu.memref_slice %arg7[%add3A_103, %dma_start3A_136] : memref<125x80xi32, #tpu.memory_space<vmem>> -> memref<1x80xi32, #tpu.memory_space<vmem>>
        %dma_start3A_138 = tpu.memref_squeeze %dma_start3A_137 : memref<1x80xi32, #tpu.memory_space<vmem>> -> memref<80xi32, #tpu.memory_space<vmem>>
        %dma_start3A_139 = arith.constant 0 : i32
        %dma_start3A_140 = arith.constant 0 : i32
        %dma_start3A_141 = tpu.memref_slice %arg11[%dma_start3A_139, %dma_start3A_140] : memref<10000x128xf32, #tpu.memory_space<vmem_shared>> -> memref<10000x128xf32, #tpu.memory_space<vmem_shared>>
        tpu.enqueue_indirect_dma source(%arg8 : memref<80x128xf32, #tpu.memory_space<vmem>>) target(%dma_start3A_141 : memref<10000x128xf32, #tpu.memory_space<vmem_shared>>) offsets(%dma_start3A_138 : memref<80xi32, #tpu.memory_space<vmem>>) semaphore(%run_scoped3A_135 : memref<!tpu.dma_semaphore, #tpu.memory_space<semaphore_mem>>) {add = true}
        %dma_wait3A_142 = arith.constant 0 : i32
        %dma_wait3A_143 = tpu.memref_slice %arg7[%add3A_103, %dma_wait3A_142] : memref<125x80xi32, #tpu.memory_space<vmem>> -> memref<1x80xi32, #tpu.memory_space<vmem>>
        %dma_wait3A_144 = tpu.memref_squeeze %dma_wait3A_143 : memref<1x80xi32, #tpu.memory_space<vmem>> -> memref<80xi32, #tpu.memory_space<vmem>>
        %dma_wait3A_145 = arith.constant 0 : i32
        %dma_wait3A_146 = arith.constant 0 : i32
        %dma_wait3A_147 = tpu.memref_slice %arg11[%dma_wait3A_145, %dma_wait3A_146] : memref<10000x128xf32, #tpu.memory_space<vmem_shared>> -> memref<10000x128xf32, #tpu.memory_space<vmem_shared>>
        tpu.wait_indirect_dma semaphore(%run_scoped3A_135 : memref<!tpu.dma_semaphore, #tpu.memory_space<semaphore_mem>>) src(%arg8 : memref<80x128xf32, #tpu.memory_space<vmem>>) dst(%dma_wait3A_147 : memref<10000x128xf32, #tpu.memory_space<vmem_shared>>)
        tpu.yield
      }) : () -> ()
      %add3A_110 = arith.constant 2 : i32
      %add3A_111 = arith.addi %add3A_103, %add3A_110 : i32
      %mul3A_112 = arith.constant 80 : i32
      %mul3A_113 = arith.muli %add3A_111, %mul3A_112 : i32
      %dma_start3A_114 = tpu.memref_slice %arg6[%mul3A_113] : memref<10000xi32, #tpu.memory_space<vmem>> -> memref<80xi32, #tpu.memory_space<vmem>>
      %dma_start3A_115 = arith.constant 0 : i32
      %dma_start3A_116 = arith.constant 0 : i32
      %dma_start3A_117 = tpu.memref_slice %arg2[%dma_start3A_115, %dma_start3A_116] : memref<10000x128xf32, #tpu.memory_space<hbm>> -> memref<10000x128xf32, #tpu.memory_space<hbm>>
      tpu.enqueue_indirect_dma source(%dma_start3A_117 : memref<10000x128xf32, #tpu.memory_space<hbm>>) target(%arg8 : memref<80x128xf32, #tpu.memory_space<vmem>>) offsets(%dma_start3A_114 : memref<80xi32, #tpu.memory_space<vmem>>) semaphore(%arg12 : memref<!tpu.dma_semaphore, #tpu.memory_space<semaphore_mem>>)
      %add3A_118 = arith.constant 1 : i32
      %add3A_119 = arith.addi %add3A_103, %add3A_118 : i32
      %mul3A_120 = arith.constant 80 : i32
      %mul3A_121 = arith.muli %add3A_119, %mul3A_120 : i32
      %dma_wait3A_122 = tpu.memref_slice %arg6[%mul3A_121] : memref<10000xi32, #tpu.memory_space<vmem>> -> memref<80xi32, #tpu.memory_space<vmem>>
      %dma_wait3A_123 = arith.constant 0 : i32
      %dma_wait3A_124 = arith.constant 0 : i32
      %dma_wait3A_125 = tpu.memref_slice %arg2[%dma_wait3A_123, %dma_wait3A_124] : memref<10000x128xf32, #tpu.memory_space<hbm>> -> memref<10000x128xf32, #tpu.memory_space<hbm>>
      tpu.wait_indirect_dma semaphore(%arg13 : memref<!tpu.dma_semaphore, #tpu.memory_space<semaphore_mem>>) src(%dma_wait3A_125 : memref<10000x128xf32, #tpu.memory_space<hbm>>) dst(%arg9 : memref<80x128xf32, #tpu.memory_space<vmem>>)
      %add3A_126 = arith.constant 1 : i32
      %add3A_127 = arith.addi %add3A_103, %add3A_126 : i32
      "tpu.region"() ({
        %run_scoped3A_135 = tpu.sem_alloc : memref<!tpu.dma_semaphore, #tpu.memory_space<semaphore_mem>>
        %dma_start3A_136 = arith.constant 0 : i32
        %dma_start3A_137 = tpu.memref_slice %arg7[%add3A_127, %dma_start3A_136] : memref<125x80xi32, #tpu.memory_space<vmem>> -> memref<1x80xi32, #tpu.memory_space<vmem>>
        %dma_start3A_138 = tpu.memref_squeeze %dma_start3A_137 : memref<1x80xi32, #tpu.memory_space<vmem>> -> memref<80xi32, #tpu.memory_space<vmem>>
        %dma_start3A_139 = arith.constant 0 : i32
        %dma_start3A_140 = arith.constant 0 : i32
        %dma_start3A_141 = tpu.memref_slice %arg11[%dma_start3A_139, %dma_start3A_140] : memref<10000x128xf32, #tpu.memory_space<vmem_shared>> -> memref<10000x128xf32, #tpu.memory_space<vmem_shared>>
        tpu.enqueue_indirect_dma source(%arg9 : memref<80x128xf32, #tpu.memory_space<vmem>>) target(%dma_start3A_141 : memref<10000x128xf32, #tpu.memory_space<vmem_shared>>) offsets(%dma_start3A_138 : memref<80xi32, #tpu.memory_space<vmem>>) semaphore(%run_scoped3A_135 : memref<!tpu.dma_semaphore, #tpu.memory_space<semaphore_mem>>) {add = true}
        %dma_wait3A_142 = arith.constant 0 : i32
        %dma_wait3A_143 = tpu.memref_slice %arg7[%add3A_127, %dma_wait3A_142] : memref<125x80xi32, #tpu.memory_space<vmem>> -> memref<1x80xi32, #tpu.memory_space<vmem>>
        %dma_wait3A_144 = tpu.memref_squeeze %dma_wait3A_143 : memref<1x80xi32, #tpu.memory_space<vmem>> -> memref<80xi32, #tpu.memory_space<vmem>>
        %dma_wait3A_145 = arith.constant 0 : i32
        %dma_wait3A_146 = arith.constant 0 : i32
        %dma_wait3A_147 = tpu.memref_slice %arg11[%dma_wait3A_145, %dma_wait3A_146] : memref<10000x128xf32, #tpu.memory_space<vmem_shared>> -> memref<10000x128xf32, #tpu.memory_space<vmem_shared>>
        tpu.wait_indirect_dma semaphore(%run_scoped3A_135 : memref<!tpu.dma_semaphore, #tpu.memory_space<semaphore_mem>>) src(%arg9 : memref<80x128xf32, #tpu.memory_space<vmem>>) dst(%dma_wait3A_147 : memref<10000x128xf32, #tpu.memory_space<vmem_shared>>)
        tpu.yield
      }) : () -> ()
      %add3A_128 = arith.constant 3 : i32
      %add3A_129 = arith.addi %add3A_103, %add3A_128 : i32
      %lt3A_130 = arith.constant 125 : i32
      %lt3A_131 = arith.cmpi slt, %add3A_129, %lt3A_130 : i32
      %convert_element_type3A_132 = arith.extui %lt3A_131 : i1 to i32
      %cond3A_133 = arith.constant 0 : i32
      %cond3A_134 = arith.cmpi ne, %convert_element_type3A_132, %cond3A_133 : i32
      scf.if %cond3A_134 {
        %add3A_135 = arith.constant 3 : i32
        %add3A_136 = arith.addi %add3A_103, %add3A_135 : i32
        %mul3A_137 = arith.constant 80 : i32
        %mul3A_138 = arith.muli %add3A_136, %mul3A_137 : i32
        %dma_start3A_139 = tpu.memref_slice %arg6[%mul3A_138] : memref<10000xi32, #tpu.memory_space<vmem>> -> memref<80xi32, #tpu.memory_space<vmem>>
        %dma_start3A_140 = arith.constant 0 : i32
        %dma_start3A_141 = arith.constant 0 : i32
        %dma_start3A_142 = tpu.memref_slice %arg2[%dma_start3A_140, %dma_start3A_141] : memref<10000x128xf32, #tpu.memory_space<hbm>> -> memref<10000x128xf32, #tpu.memory_space<hbm>>
        tpu.enqueue_indirect_dma source(%dma_start3A_142 : memref<10000x128xf32, #tpu.memory_space<hbm>>) target(%arg9 : memref<80x128xf32, #tpu.memory_space<vmem>>) offsets(%dma_start3A_139 : memref<80xi32, #tpu.memory_space<vmem>>) semaphore(%arg13 : memref<!tpu.dma_semaphore, #tpu.memory_space<semaphore_mem>>)
      } else {
      }
    }
    %scan3A_85 = arith.constant 62 : i32
    %dma_wait3A_86 = arith.constant 9920 : i32
    %dma_wait3A_87 = tpu.memref_slice %arg6[%dma_wait3A_86] : memref<10000xi32, #tpu.memory_space<vmem>> -> memref<80xi32, #tpu.memory_space<vmem>>
    %dma_wait3A_88 = arith.constant 0 : i32
    %dma_wait3A_89 = arith.constant 0 : i32
    %dma_wait3A_90 = tpu.memref_slice %arg2[%dma_wait3A_88, %dma_wait3A_89] : memref<10000x128xf32, #tpu.memory_space<hbm>> -> memref<10000x128xf32, #tpu.memory_space<hbm>>
    tpu.wait_indirect_dma semaphore(%arg12 : memref<!tpu.dma_semaphore, #tpu.memory_space<semaphore_mem>>) src(%dma_wait3A_90 : memref<10000x128xf32, #tpu.memory_space<hbm>>) dst(%arg8 : memref<80x128xf32, #tpu.memory_space<vmem>>)
    %run_scoped3A = arith.constant 124 : i32
    "tpu.region"() ({
      %run_scoped3A_99 = tpu.sem_alloc : memref<!tpu.dma_semaphore, #tpu.memory_space<semaphore_mem>>
      %dma_start3A_100 = arith.constant 0 : i32
      %dma_start3A_101 = tpu.memref_slice %arg7[%run_scoped3A, %dma_start3A_100] : memref<125x80xi32, #tpu.memory_space<vmem>> -> memref<1x80xi32, #tpu.memory_space<vmem>>
      %dma_start3A_102 = tpu.memref_squeeze %dma_start3A_101 : memref<1x80xi32, #tpu.memory_space<vmem>> -> memref<80xi32, #tpu.memory_space<vmem>>
      %dma_start3A_103 = arith.constant 0 : i32
      %dma_start3A_104 = arith.constant 0 : i32
      %dma_start3A_105 = tpu.memref_slice %arg11[%dma_start3A_103, %dma_start3A_104] : memref<10000x128xf32, #tpu.memory_space<vmem_shared>> -> memref<10000x128xf32, #tpu.memory_space<vmem_shared>>
      tpu.enqueue_indirect_dma source(%arg8 : memref<80x128xf32, #tpu.memory_space<vmem>>) target(%dma_start3A_105 : memref<10000x128xf32, #tpu.memory_space<vmem_shared>>) offsets(%dma_start3A_102 : memref<80xi32, #tpu.memory_space<vmem>>) semaphore(%run_scoped3A_99 : memref<!tpu.dma_semaphore, #tpu.memory_space<semaphore_mem>>) {add = true}
      %dma_wait3A_106 = arith.constant 0 : i32
      %dma_wait3A_107 = tpu.memref_slice %arg7[%run_scoped3A, %dma_wait3A_106] : memref<125x80xi32, #tpu.memory_space<vmem>> -> memref<1x80xi32, #tpu.memory_space<vmem>>
      %dma_wait3A_108 = tpu.memref_squeeze %dma_wait3A_107 : memref<1x80xi32, #tpu.memory_space<vmem>> -> memref<80xi32, #tpu.memory_space<vmem>>
      %dma_wait3A_109 = arith.constant 0 : i32
      %dma_wait3A_110 = arith.constant 0 : i32
      %dma_wait3A_111 = tpu.memref_slice %arg11[%dma_wait3A_109, %dma_wait3A_110] : memref<10000x128xf32, #tpu.memory_space<vmem_shared>> -> memref<10000x128xf32, #tpu.memory_space<vmem_shared>>
      tpu.wait_indirect_dma semaphore(%run_scoped3A_99 : memref<!tpu.dma_semaphore, #tpu.memory_space<semaphore_mem>>) src(%arg8 : memref<80x128xf32, #tpu.memory_space<vmem>>) dst(%dma_wait3A_111 : memref<10000x128xf32, #tpu.memory_space<vmem_shared>>)
      tpu.yield
    }) : () -> ()
    %barrier3A_91 = arith.constant 0 : index
    tpu.barrier barrier_id(%barrier3A_91)
    %lt3A = arith.constant 15 : i32
    %lt3A_92 = arith.cmpi slt, %arg1, %lt3A : i32
    %convert_element_type3A = arith.extui %lt3A_92 : i1 to i32
    %cond3A = arith.constant 0 : i32
    %cond3A_93 = arith.cmpi ne, %convert_element_type3A, %cond3A : i32
    scf.if %cond3A_93 {
      "tpu.region"() ({
        %run_scoped3A_99 = tpu.sem_alloc : memref<!tpu.dma_semaphore, #tpu.memory_space<semaphore_mem>>
        %dma_start3A_100 = arith.constant 0 : i32
        %dma_start3A_101 = tpu.memref_slice %arg5[%arg0, %mul3A_20, %dma_start3A_100] : memref<2x10000x128xf32, #tpu.memory_space<hbm>> -> memref<1x624x128xf32, #tpu.memory_space<hbm>>
        %dma_start3A_102 = tpu.memref_squeeze %dma_start3A_101 : memref<1x624x128xf32, #tpu.memory_space<hbm>> -> memref<624x128xf32, #tpu.memory_space<hbm>>
        %dma_start3A_103 = arith.constant 0 : i32
        %dma_start3A_104 = tpu.memref_slice %arg11[%mul3A_20, %dma_start3A_103] : memref<10000x128xf32, #tpu.memory_space<vmem_shared>> -> memref<624x128xf32, #tpu.memory_space<vmem_shared>>
        tpu.enqueue_dma source(%dma_start3A_104 : memref<624x128xf32, #tpu.memory_space<vmem_shared>>) target(%dma_start3A_102 : memref<624x128xf32, #tpu.memory_space<hbm>>) target_semaphore(%run_scoped3A_99 : memref<!tpu.dma_semaphore, #tpu.memory_space<semaphore_mem>>)
        %dma_wait3A_105 = arith.constant 0 : i32
        %dma_wait3A_106 = tpu.memref_slice %arg5[%arg0, %mul3A_20, %dma_wait3A_105] : memref<2x10000x128xf32, #tpu.memory_space<hbm>> -> memref<1x624x128xf32, #tpu.memory_space<hbm>>
        %dma_wait3A_107 = tpu.memref_squeeze %dma_wait3A_106 : memref<1x624x128xf32, #tpu.memory_space<hbm>> -> memref<624x128xf32, #tpu.memory_space<hbm>>
        %dma_wait3A_108 = arith.constant 0 : i32
        %dma_wait3A_109 = tpu.memref_slice %arg11[%mul3A_20, %dma_wait3A_108] : memref<10000x128xf32, #tpu.memory_space<vmem_shared>> -> memref<624x128xf32, #tpu.memory_space<vmem_shared>>
        tpu.wait_dma2 semaphore(%run_scoped3A_99 : memref<!tpu.dma_semaphore, #tpu.memory_space<semaphore_mem>>) src(%dma_wait3A_109 : memref<624x128xf32, #tpu.memory_space<vmem_shared>>) dst(%dma_wait3A_107 : memref<624x128xf32, #tpu.memory_space<hbm>>)
        tpu.yield
      }) : () -> ()
    } else {
    }
    %eq3A_94 = arith.constant 15 : i32
    %eq3A_95 = arith.cmpi eq, %arg1, %eq3A_94 : i32
    %convert_element_type3A_96 = arith.extui %eq3A_95 : i1 to i32
    %cond3A_97 = arith.constant 0 : i32
    %cond3A_98 = arith.cmpi ne, %convert_element_type3A_96, %cond3A_97 : i32
    scf.if %cond3A_98 {
      "tpu.region"() ({
        %run_scoped3A_99 = tpu.sem_alloc : memref<!tpu.dma_semaphore, #tpu.memory_space<semaphore_mem>>
        %dma_start3A_100 = arith.constant 0 : i32
        %dma_start3A_101 = tpu.memref_slice %arg5[%arg0, %mul3A_20, %dma_start3A_100] : memref<2x10000x128xf32, #tpu.memory_space<hbm>> -> memref<1x640x128xf32, #tpu.memory_space<hbm>>
        %dma_start3A_102 = tpu.memref_squeeze %dma_start3A_101 : memref<1x640x128xf32, #tpu.memory_space<hbm>> -> memref<640x128xf32, #tpu.memory_space<hbm>>
        %dma_start3A_103 = arith.constant 0 : i32
        %dma_start3A_104 = tpu.memref_slice %arg11[%mul3A_20, %dma_start3A_103] : memref<10000x128xf32, #tpu.memory_space<vmem_shared>> -> memref<640x128xf32, #tpu.memory_space<vmem_shared>>
        tpu.enqueue_dma source(%dma_start3A_104 : memref<640x128xf32, #tpu.memory_space<vmem_shared>>) target(%dma_start3A_102 : memref<640x128xf32, #tpu.memory_space<hbm>>) target_semaphore(%run_scoped3A_99 : memref<!tpu.dma_semaphore, #tpu.memory_space<semaphore_mem>>)
        %dma_wait3A_105 = arith.constant 0 : i32
        %dma_wait3A_106 = tpu.memref_slice %arg5[%arg0, %mul3A_20, %dma_wait3A_105] : memref<2x10000x128xf32, #tpu.memory_space<hbm>> -> memref<1x640x128xf32, #tpu.memory_space<hbm>>
        %dma_wait3A_107 = tpu.memref_squeeze %dma_wait3A_106 : memref<1x640x128xf32, #tpu.memory_space<hbm>> -> memref<640x128xf32, #tpu.memory_space<hbm>>
        %dma_wait3A_108 = arith.constant 0 : i32
        %dma_wait3A_109 = tpu.memref_slice %arg11[%mul3A_20, %dma_wait3A_108] : memref<10000x128xf32, #tpu.memory_space<vmem_shared>> -> memref<640x128xf32, #tpu.memory_space<vmem_shared>>
        tpu.wait_dma2 semaphore(%run_scoped3A_99 : memref<!tpu.dma_semaphore, #tpu.memory_space<semaphore_mem>>) src(%dma_wait3A_109 : memref<640x128xf32, #tpu.memory_space<vmem_shared>>) dst(%dma_wait3A_107 : memref<640x128xf32, #tpu.memory_space<hbm>>)
        tpu.yield
      }) : () -> ()
    } else {
    }
    return
  }
}

#map = affine_map<(d0, d1) -> (0, 0)>
#map1 = affine_map<(d0, d1) -> (0, 0, 0)>
module attributes {stable_mosaic.version = 14 : i64} {
  func.func @_seg_sum_body(%arg0: i32, %arg1: i32, %arg2: memref<10000x128xf32, #tpu.memory_space<hbm>>, %arg3: memref<32x10000xi32, #tpu.memory_space<hbm>>, %arg4: memref<32x125x80xi32, #tpu.memory_space<hbm>>, %arg5: memref<2x10000x128xf32, #tpu.memory_space<hbm>>, %arg6: memref<10000xi32, #tpu.memory_space<vmem>>, %arg7: memref<125x80xi32, #tpu.memory_space<vmem>>, %arg8: memref<80x128xf32, #tpu.memory_space<vmem>>, %arg9: memref<80x128xf32, #tpu.memory_space<vmem>>, %arg10: memref<8x128xf32, #tpu.memory_space<vmem>>, %arg11: memref<10000x128xf32, #tpu.memory_space<vmem_shared>>, %arg12: memref<!tpu.dma_semaphore, #tpu.memory_space<semaphore_mem>>, %arg13: memref<!tpu.dma_semaphore, #tpu.memory_space<semaphore_mem>>, %arg14: memref<!tpu.dma_semaphore, #tpu.memory_space<semaphore_mem>>) attributes {dimension_semantics = [#tpu.dimension_semantics<core_parallel>, #tpu.dimension_semantics<subcore_parallel>], iteration_bounds = array<i64: 2, 16>, scalar_prefetch = 0 : i64, scratch_operands = 9 : i64, tpu.core_type = #tpu.core_type<sc_vector_subcore>, window_params = [{transform_indices = #map}, {transform_indices = #map}, {transform_indices = #map1}, {transform_indices = #map1}]} {
    %mul3A = arith.constant 2 : i32
    %mul3A_0 = arith.muli %arg1, %mul3A : i32
    %add3A = arith.addi %mul3A_0, %arg0 : i32
    %dma_start3A = arith.constant 0 : i32
    %dma_start3A_1 = tpu.memref_slice %arg3[%add3A, %dma_start3A] : memref<32x10000xi32, #tpu.memory_space<hbm>> -> memref<1x10000xi32, #tpu.memory_space<hbm>>
    %dma_start3A_2 = tpu.memref_squeeze %dma_start3A_1 : memref<1x10000xi32, #tpu.memory_space<hbm>> -> memref<10000xi32, #tpu.memory_space<hbm>>
    %dma_start3A_3 = arith.constant 0 : i32
    %dma_start3A_4 = tpu.memref_slice %arg3[%add3A, %dma_start3A_3] : memref<32x10000xi32, #tpu.memory_space<hbm>> -> memref<1x10000xi32, #tpu.memory_space<hbm>>
    %dma_start3A_5 = tpu.memref_squeeze %dma_start3A_4 : memref<1x10000xi32, #tpu.memory_space<hbm>> -> memref<10000xi32, #tpu.memory_space<hbm>>
    tpu.enqueue_dma source(%dma_start3A_5 : memref<10000xi32, #tpu.memory_space<hbm>>) target(%arg6 : memref<10000xi32, #tpu.memory_space<vmem>>) target_semaphore(%arg12 : memref<!tpu.dma_semaphore, #tpu.memory_space<semaphore_mem>>)
    %dma_start3A_6 = arith.constant 0 : i32
    %dma_start3A_7 = arith.constant 0 : i32
    %dma_start3A_8 = tpu.memref_slice %arg4[%add3A, %dma_start3A_6, %dma_start3A_7] : memref<32x125x80xi32, #tpu.memory_space<hbm>> -> memref<1x125x80xi32, #tpu.memory_space<hbm>>
    %dma_start3A_9 = tpu.memref_squeeze %dma_start3A_8 : memref<1x125x80xi32, #tpu.memory_space<hbm>> -> memref<125x80xi32, #tpu.memory_space<hbm>>
    %dma_start3A_10 = arith.constant 0 : i32
    %dma_start3A_11 = arith.constant 0 : i32
    %dma_start3A_12 = tpu.memref_slice %arg4[%add3A, %dma_start3A_10, %dma_start3A_11] : memref<32x125x80xi32, #tpu.memory_space<hbm>> -> memref<1x125x80xi32, #tpu.memory_space<hbm>>
    %dma_start3A_13 = tpu.memref_squeeze %dma_start3A_12 : memref<1x125x80xi32, #tpu.memory_space<hbm>> -> memref<125x80xi32, #tpu.memory_space<hbm>>
    tpu.enqueue_dma source(%dma_start3A_13 : memref<125x80xi32, #tpu.memory_space<hbm>>) target(%arg7 : memref<125x80xi32, #tpu.memory_space<vmem>>) target_semaphore(%arg13 : memref<!tpu.dma_semaphore, #tpu.memory_space<semaphore_mem>>)
    %broadcast_in_dim3A = arith.constant 0.000000e+00 : f32
    %broadcast_in_dim3A_14 = vector.broadcast %broadcast_in_dim3A : f32 to vector<16xf32>
    %scan3A = arith.constant 0 : i32
    %scan3A_15 = arith.constant 8 : i32
    %scan3A_16 = arith.addi %scan3A, %scan3A_15 : i32
    %scan3A_17 = arith.constant 1 : i32
    scf.for %scan3A_99 = %scan3A to %scan3A_16 step %scan3A_17  : i32 {
      %mul3A_100 = arith.constant 1 : i32
      %mul3A_101 = arith.muli %scan3A_99, %mul3A_100 : i32
      %add3A_102 = arith.constant 0 : i32
      %add3A_103 = arith.addi %add3A_102, %mul3A_101 : i32
      %swap3A = arith.index_cast %add3A_103 : i32 to index
      %swap3A_104 = arith.constant 0 : index
      %swap3A_105 = tpu.vector_load %arg10[%swap3A, %swap3A_104] {strides = array<i32>} : memref<8x128xf32, #tpu.memory_space<vmem>>, vector<1x16xf32>,
      %swap3A_106 = vector.shape_cast %swap3A_105 : vector<1x16xf32> to vector<16xf32>
      %swap3A_107 = vector.shape_cast %broadcast_in_dim3A_14 : vector<16xf32> to vector<1x16xf32>
      tpu.vector_store %arg10[%swap3A, %swap3A_104], %swap3A_107 {strides = array<i32>} : memref<8x128xf32, #tpu.memory_space<vmem>>, vector<1x16xf32>,
      %swap3A_108 = arith.index_cast %add3A_103 : i32 to index
      %swap3A_109 = arith.constant 16 : index
      %swap3A_110 = tpu.vector_load %arg10[%swap3A_108, %swap3A_109] {strides = array<i32>} : memref<8x128xf32, #tpu.memory_space<vmem>>, vector<1x16xf32>,
      %swap3A_111 = vector.shape_cast %swap3A_110 : vector<1x16xf32> to vector<16xf32>
      %swap3A_112 = vector.shape_cast %broadcast_in_dim3A_14 : vector<16xf32> to vector<1x16xf32>
      tpu.vector_store %arg10[%swap3A_108, %swap3A_109], %swap3A_112 {strides = array<i32>} : memref<8x128xf32, #tpu.memory_space<vmem>>, vector<1x16xf32>,
      %swap3A_113 = arith.index_cast %add3A_103 : i32 to index
      %swap3A_114 = arith.constant 32 : index
      %swap3A_115 = tpu.vector_load %arg10[%swap3A_113, %swap3A_114] {strides = array<i32>} : memref<8x128xf32, #tpu.memory_space<vmem>>, vector<1x16xf32>,
      %swap3A_116 = vector.shape_cast %swap3A_115 : vector<1x16xf32> to vector<16xf32>
      %swap3A_117 = vector.shape_cast %broadcast_in_dim3A_14 : vector<16xf32> to vector<1x16xf32>
      tpu.vector_store %arg10[%swap3A_113, %swap3A_114], %swap3A_117 {strides = array<i32>} : memref<8x128xf32, #tpu.memory_space<vmem>>, vector<1x16xf32>,
      %swap3A_118 = arith.index_cast %add3A_103 : i32 to index
      %swap3A_119 = arith.constant 48 : index
      %swap3A_120 = tpu.vector_load %arg10[%swap3A_118, %swap3A_119] {strides = array<i32>} : memref<8x128xf32, #tpu.memory_space<vmem>>, vector<1x16xf32>,
      %swap3A_121 = vector.shape_cast %swap3A_120 : vector<1x16xf32> to vector<16xf32>
      %swap3A_122 = vector.shape_cast %broadcast_in_dim3A_14 : vector<16xf32> to vector<1x16xf32>
      tpu.vector_store %arg10[%swap3A_118, %swap3A_119], %swap3A_122 {strides = array<i32>} : memref<8x128xf32, #tpu.memory_space<vmem>>, vector<1x16xf32>,
      %swap3A_123 = arith.index_cast %add3A_103 : i32 to index
      %swap3A_124 = arith.constant 64 : index
      %swap3A_125 = tpu.vector_load %arg10[%swap3A_123, %swap3A_124] {strides = array<i32>} : memref<8x128xf32, #tpu.memory_space<vmem>>, vector<1x16xf32>,
      %swap3A_126 = vector.shape_cast %swap3A_125 : vector<1x16xf32> to vector<16xf32>
      %swap3A_127 = vector.shape_cast %broadcast_in_dim3A_14 : vector<16xf32> to vector<1x16xf32>
      tpu.vector_store %arg10[%swap3A_123, %swap3A_124], %swap3A_127 {strides = array<i32>} : memref<8x128xf32, #tpu.memory_space<vmem>>, vector<1x16xf32>,
      %swap3A_128 = arith.index_cast %add3A_103 : i32 to index
      %swap3A_129 = arith.constant 80 : index
      %swap3A_130 = tpu.vector_load %arg10[%swap3A_128, %swap3A_129] {strides = array<i32>} : memref<8x128xf32, #tpu.memory_space<vmem>>, vector<1x16xf32>,
      %swap3A_131 = vector.shape_cast %swap3A_130 : vector<1x16xf32> to vector<16xf32>
      %swap3A_132 = vector.shape_cast %broadcast_in_dim3A_14 : vector<16xf32> to vector<1x16xf32>
      tpu.vector_store %arg10[%swap3A_128, %swap3A_129], %swap3A_132 {strides = array<i32>} : memref<8x128xf32, #tpu.memory_space<vmem>>, vector<1x16xf32>,
      %swap3A_133 = arith.index_cast %add3A_103 : i32 to index
      %swap3A_134 = arith.constant 96 : index
      %swap3A_135 = tpu.vector_load %arg10[%swap3A_133, %swap3A_134] {strides = array<i32>} : memref<8x128xf32, #tpu.memory_space<vmem>>, vector<1x16xf32>,
      %swap3A_136 = vector.shape_cast %swap3A_135 : vector<1x16xf32> to vector<16xf32>
      %swap3A_137 = vector.shape_cast %broadcast_in_dim3A_14 : vector<16xf32> to vector<1x16xf32>
      tpu.vector_store %arg10[%swap3A_133, %swap3A_134], %swap3A_137 {strides = array<i32>} : memref<8x128xf32, #tpu.memory_space<vmem>>, vector<1x16xf32>,
      %swap3A_138 = arith.index_cast %add3A_103 : i32 to index
      %swap3A_139 = arith.constant 112 : index
      %swap3A_140 = tpu.vector_load %arg10[%swap3A_138, %swap3A_139] {strides = array<i32>} : memref<8x128xf32, #tpu.memory_space<vmem>>, vector<1x16xf32>,
      %swap3A_141 = vector.shape_cast %swap3A_140 : vector<1x16xf32> to vector<16xf32>
      %swap3A_142 = vector.shape_cast %broadcast_in_dim3A_14 : vector<16xf32> to vector<1x16xf32>
      tpu.vector_store %arg10[%swap3A_138, %swap3A_139], %swap3A_142 {strides = array<i32>} : memref<8x128xf32, #tpu.memory_space<vmem>>, vector<1x16xf32>,
    }
    %scan3A_18 = arith.constant 8 : i32
    %mul3A_19 = arith.constant 624 : i32
    %mul3A_20 = arith.muli %arg1, %mul3A_19 : i32
    %eq3A = arith.constant 15 : i32
    %eq3A_21 = arith.cmpi eq, %arg1, %eq3A : i32
    %jit3A = arith.constant 80 : i32
    %jit3A_22 = arith.constant 78 : i32
    %select_n3A = arith.select %eq3A_21, %jit3A, %jit3A_22 : i32
    %sub3A = arith.constant 0 : i32
    %sub3A_23 = arith.subi %select_n3A, %sub3A : i32
    %sub3A_24 = arith.constant 1 : i32
    %sub3A_25 = arith.constant 1 : i32
    %sub3A_26 = arith.subi %sub3A_24, %sub3A_25 : i32
    %add3A_27 = arith.addi %sub3A_23, %sub3A_26 : i32
    %div3A = arith.constant 1 : i32
    %div3A_28 = arith.divsi %add3A_27, %div3A : i32
    %while3A = arith.constant 1 : i32
    %while3A_29 = arith.constant 0 : i32
    %while3A_30 = arith.constant 0 : i32
    %while3A_31 = arith.subi %div3A_28, %while3A_30 : i32
    %while3A_32 = arith.addi %while3A_30, %while3A_31 : i32
    %while3A_33 = arith.constant 1 : i32
    %while3A_34 = arith.divsi %while3A_31, %while3A_33 : i32
    %while3A_35 = arith.muli %while3A_34, %while3A_33 : i32
    %while3A_36 = arith.addi %while3A_30, %while3A_35 : i32
    %while3A_37 = arith.constant 1 : i32
    scf.for %while3A_99 = %while3A_30 to %while3A_36 step %while3A_37  : i32 {
      %mul3A_100 = arith.muli %while3A_99, %while3A : i32
      %add3A_101 = arith.addi %while3A_29, %mul3A_100 : i32
      %mul3A_102 = arith.constant 8 : i32
      %mul3A_103 = arith.muli %add3A_101, %mul3A_102 : i32
      %add3A_104 = arith.addi %mul3A_20, %mul3A_103 : i32
      %dma_start3A_105 = arith.constant 0 : i32
      %dma_start3A_106 = tpu.memref_slice %arg11[%add3A_104, %dma_start3A_105] : memref<10000x128xf32, #tpu.memory_space<vmem_shared>> -> memref<8x128xf32, #tpu.memory_space<vmem_shared>>
      %dma_start3A_107 = arith.constant 0 : i32
      %dma_start3A_108 = tpu.memref_slice %arg11[%add3A_104, %dma_start3A_107] : memref<10000x128xf32, #tpu.memory_space<vmem_shared>> -> memref<8x128xf32, #tpu.memory_space<vmem_shared>>
      tpu.enqueue_dma source(%arg10 : memref<8x128xf32, #tpu.memory_space<vmem>>) target(%dma_start3A_108 : memref<8x128xf32, #tpu.memory_space<vmem_shared>>) target_semaphore(%arg14 : memref<!tpu.dma_semaphore, #tpu.memory_space<semaphore_mem>>)
    }
    %while3A_38 = arith.constant 1 : i32
    scf.for %while3A_99 = %while3A_36 to %while3A_32 step %while3A_38  : i32 {
      %mul3A_100 = arith.muli %while3A_99, %while3A : i32
      %add3A_101 = arith.addi %while3A_29, %mul3A_100 : i32
      %mul3A_102 = arith.constant 8 : i32
      %mul3A_103 = arith.muli %add3A_101, %mul3A_102 : i32
      %add3A_104 = arith.addi %mul3A_20, %mul3A_103 : i32
      %dma_start3A_105 = arith.constant 0 : i32
      %dma_start3A_106 = tpu.memref_slice %arg11[%add3A_104, %dma_start3A_105] : memref<10000x128xf32, #tpu.memory_space<vmem_shared>> -> memref<8x128xf32, #tpu.memory_space<vmem_shared>>
      %dma_start3A_107 = arith.constant 0 : i32
      %dma_start3A_108 = tpu.memref_slice %arg11[%add3A_104, %dma_start3A_107] : memref<10000x128xf32, #tpu.memory_space<vmem_shared>> -> memref<8x128xf32, #tpu.memory_space<vmem_shared>>
      tpu.enqueue_dma source(%arg10 : memref<8x128xf32, #tpu.memory_space<vmem>>) target(%dma_start3A_108 : memref<8x128xf32, #tpu.memory_space<vmem_shared>>) target_semaphore(%arg14 : memref<!tpu.dma_semaphore, #tpu.memory_space<semaphore_mem>>)
    }
    %dma_wait3A = arith.constant 0 : i32
    %dma_wait3A_39 = tpu.memref_slice %arg3[%add3A, %dma_wait3A] : memref<32x10000xi32, #tpu.memory_space<hbm>> -> memref<1x10000xi32, #tpu.memory_space<hbm>>
    %dma_wait3A_40 = tpu.memref_squeeze %dma_wait3A_39 : memref<1x10000xi32, #tpu.memory_space<hbm>> -> memref<10000xi32, #tpu.memory_space<hbm>>
    %dma_wait3A_41 = arith.constant 0 : i32
    %dma_wait3A_42 = tpu.memref_slice %arg3[%add3A, %dma_wait3A_41] : memref<32x10000xi32, #tpu.memory_space<hbm>> -> memref<1x10000xi32, #tpu.memory_space<hbm>>
    %dma_wait3A_43 = tpu.memref_squeeze %dma_wait3A_42 : memref<1x10000xi32, #tpu.memory_space<hbm>> -> memref<10000xi32, #tpu.memory_space<hbm>>
    tpu.wait_dma2 semaphore(%arg12 : memref<!tpu.dma_semaphore, #tpu.memory_space<semaphore_mem>>) src(%dma_wait3A_43 : memref<10000xi32, #tpu.memory_space<hbm>>) dst(%arg6 : memref<10000xi32, #tpu.memory_space<vmem>>)
    %dma_wait3A_44 = arith.constant 0 : i32
    %dma_wait3A_45 = arith.constant 0 : i32
    %dma_wait3A_46 = tpu.memref_slice %arg4[%add3A, %dma_wait3A_44, %dma_wait3A_45] : memref<32x125x80xi32, #tpu.memory_space<hbm>> -> memref<1x125x80xi32, #tpu.memory_space<hbm>>
    %dma_wait3A_47 = tpu.memref_squeeze %dma_wait3A_46 : memref<1x125x80xi32, #tpu.memory_space<hbm>> -> memref<125x80xi32, #tpu.memory_space<hbm>>
    %dma_wait3A_48 = arith.constant 0 : i32
    %dma_wait3A_49 = arith.constant 0 : i32
    %dma_wait3A_50 = tpu.memref_slice %arg4[%add3A, %dma_wait3A_48, %dma_wait3A_49] : memref<32x125x80xi32, #tpu.memory_space<hbm>> -> memref<1x125x80xi32, #tpu.memory_space<hbm>>
    %dma_wait3A_51 = tpu.memref_squeeze %dma_wait3A_50 : memref<1x125x80xi32, #tpu.memory_space<hbm>> -> memref<125x80xi32, #tpu.memory_space<hbm>>
    tpu.wait_dma2 semaphore(%arg13 : memref<!tpu.dma_semaphore, #tpu.memory_space<semaphore_mem>>) src(%dma_wait3A_51 : memref<125x80xi32, #tpu.memory_space<hbm>>) dst(%arg7 : memref<125x80xi32, #tpu.memory_space<vmem>>)
    %dma_start3A_52 = arith.constant 0 : i32
    %dma_start3A_53 = tpu.memref_slice %arg6[%dma_start3A_52] : memref<10000xi32, #tpu.memory_space<vmem>> -> memref<80xi32, #tpu.memory_space<vmem>>
    %dma_start3A_54 = arith.constant 0 : i32
    %dma_start3A_55 = arith.constant 0 : i32
    %dma_start3A_56 = tpu.memref_slice %arg2[%dma_start3A_54, %dma_start3A_55] : memref<10000x128xf32, #tpu.memory_space<hbm>> -> memref<10000x128xf32, #tpu.memory_space<hbm>>
    tpu.enqueue_indirect_dma source(%dma_start3A_56 : memref<10000x128xf32, #tpu.memory_space<hbm>>) target(%arg8 : memref<80x128xf32, #tpu.memory_space<vmem>>) offsets(%dma_start3A_53 : memref<80xi32, #tpu.memory_space<vmem>>) semaphore(%arg12 : memref<!tpu.dma_semaphore, #tpu.memory_space<semaphore_mem>>)
    %dma_start3A_57 = arith.constant 80 : i32
    %dma_start3A_58 = tpu.memref_slice %arg6[%dma_start3A_57] : memref<10000xi32, #tpu.memory_space<vmem>> -> memref<80xi32, #tpu.memory_space<vmem>>
    %dma_start3A_59 = arith.constant 0 : i32
    %dma_start3A_60 = arith.constant 0 : i32
    %dma_start3A_61 = tpu.memref_slice %arg2[%dma_start3A_59, %dma_start3A_60] : memref<10000x128xf32, #tpu.memory_space<hbm>> -> memref<10000x128xf32, #tpu.memory_space<hbm>>
    tpu.enqueue_indirect_dma source(%dma_start3A_61 : memref<10000x128xf32, #tpu.memory_space<hbm>>) target(%arg9 : memref<80x128xf32, #tpu.memory_space<vmem>>) offsets(%dma_start3A_58 : memref<80xi32, #tpu.memory_space<vmem>>) semaphore(%arg13 : memref<!tpu.dma_semaphore, #tpu.memory_space<semaphore_mem>>)
    %sub3A_62 = arith.constant 0 : i32
    %sub3A_63 = arith.subi %select_n3A, %sub3A_62 : i32
    %sub3A_64 = arith.constant 1 : i32
    %sub3A_65 = arith.constant 1 : i32
    %sub3A_66 = arith.subi %sub3A_64, %sub3A_65 : i32
    %add3A_67 = arith.addi %sub3A_63, %sub3A_66 : i32
    %div3A_68 = arith.constant 1 : i32
    %div3A_69 = arith.divsi %add3A_67, %div3A_68 : i32
    %while3A_70 = arith.constant 1 : i32
    %while3A_71 = arith.constant 0 : i32
    %while3A_72 = arith.constant 0 : i32
    %while3A_73 = arith.subi %div3A_69, %while3A_72 : i32
    %while3A_74 = arith.addi %while3A_72, %while3A_73 : i32
    %while3A_75 = arith.constant 1 : i32
    %while3A_76 = arith.divsi %while3A_73, %while3A_75 : i32
    %while3A_77 = arith.muli %while3A_76, %while3A_75 : i32
    %while3A_78 = arith.addi %while3A_72, %while3A_77 : i32
    %while3A_79 = arith.constant 1 : i32
    scf.for %while3A_99 = %while3A_72 to %while3A_78 step %while3A_79  : i32 {
      %mul3A_100 = arith.muli %while3A_99, %while3A_70 : i32
      %add3A_101 = arith.addi %while3A_71, %mul3A_100 : i32
      %mul3A_102 = arith.constant 8 : i32
      %mul3A_103 = arith.muli %add3A_101, %mul3A_102 : i32
      %add3A_104 = arith.addi %mul3A_20, %mul3A_103 : i32
      %dma_wait3A_105 = arith.constant 0 : i32
      %dma_wait3A_106 = tpu.memref_slice %arg11[%add3A_104, %dma_wait3A_105] : memref<10000x128xf32, #tpu.memory_space<vmem_shared>> -> memref<8x128xf32, #tpu.memory_space<vmem_shared>>
      %dma_wait3A_107 = arith.constant 0 : i32
      %dma_wait3A_108 = tpu.memref_slice %arg11[%add3A_104, %dma_wait3A_107] : memref<10000x128xf32, #tpu.memory_space<vmem_shared>> -> memref<8x128xf32, #tpu.memory_space<vmem_shared>>
      tpu.wait_dma2 semaphore(%arg14 : memref<!tpu.dma_semaphore, #tpu.memory_space<semaphore_mem>>) src(%arg10 : memref<8x128xf32, #tpu.memory_space<vmem>>) dst(%dma_wait3A_108 : memref<8x128xf32, #tpu.memory_space<vmem_shared>>)
    }
    %while3A_80 = arith.constant 1 : i32
    scf.for %while3A_99 = %while3A_78 to %while3A_74 step %while3A_80  : i32 {
      %mul3A_100 = arith.muli %while3A_99, %while3A_70 : i32
      %add3A_101 = arith.addi %while3A_71, %mul3A_100 : i32
      %mul3A_102 = arith.constant 8 : i32
      %mul3A_103 = arith.muli %add3A_101, %mul3A_102 : i32
      %add3A_104 = arith.addi %mul3A_20, %mul3A_103 : i32
      %dma_wait3A_105 = arith.constant 0 : i32
      %dma_wait3A_106 = tpu.memref_slice %arg11[%add3A_104, %dma_wait3A_105] : memref<10000x128xf32, #tpu.memory_space<vmem_shared>> -> memref<8x128xf32, #tpu.memory_space<vmem_shared>>
      %dma_wait3A_107 = arith.constant 0 : i32
      %dma_wait3A_108 = tpu.memref_slice %arg11[%add3A_104, %dma_wait3A_107] : memref<10000x128xf32, #tpu.memory_space<vmem_shared>> -> memref<8x128xf32, #tpu.memory_space<vmem_shared>>
      tpu.wait_dma2 semaphore(%arg14 : memref<!tpu.dma_semaphore, #tpu.memory_space<semaphore_mem>>) src(%arg10 : memref<8x128xf32, #tpu.memory_space<vmem>>) dst(%dma_wait3A_108 : memref<8x128xf32, #tpu.memory_space<vmem_shared>>)
    }
    %barrier3A = arith.constant 0 : index
    tpu.barrier barrier_id(%barrier3A)
    %scan3A_81 = arith.constant 0 : i32
    %scan3A_82 = arith.constant 62 : i32
    %scan3A_83 = arith.addi %scan3A_81, %scan3A_82 : i32
    %scan3A_84 = arith.constant 1 : i32
    scf.for %scan3A_99 = %scan3A_81 to %scan3A_83 step %scan3A_84  : i32 {
      %mul3A_100 = arith.constant 2 : i32
      %mul3A_101 = arith.muli %scan3A_99, %mul3A_100 : i32
      %add3A_102 = arith.constant 0 : i32
      %add3A_103 = arith.addi %add3A_102, %mul3A_101 : i32
      %mul3A_104 = arith.constant 80 : i32
      %mul3A_105 = arith.muli %add3A_103, %mul3A_104 : i32
      %dma_wait3A_106 = tpu.memref_slice %arg6[%mul3A_105] : memref<10000xi32, #tpu.memory_space<vmem>> -> memref<80xi32, #tpu.memory_space<vmem>>
      %dma_wait3A_107 = arith.constant 0 : i32
      %dma_wait3A_108 = arith.constant 0 : i32
      %dma_wait3A_109 = tpu.memref_slice %arg2[%dma_wait3A_107, %dma_wait3A_108] : memref<10000x128xf32, #tpu.memory_space<hbm>> -> memref<10000x128xf32, #tpu.memory_space<hbm>>
      tpu.wait_indirect_dma semaphore(%arg12 : memref<!tpu.dma_semaphore, #tpu.memory_space<semaphore_mem>>) src(%dma_wait3A_109 : memref<10000x128xf32, #tpu.memory_space<hbm>>) dst(%arg8 : memref<80x128xf32, #tpu.memory_space<vmem>>)
      "tpu.region"() ({
        %run_scoped3A_135 = tpu.sem_alloc : memref<!tpu.dma_semaphore, #tpu.memory_space<semaphore_mem>>
        %dma_start3A_136 = arith.constant 0 : i32
        %dma_start3A_137 = tpu.memref_slice %arg7[%add3A_103, %dma_start3A_136] : memref<125x80xi32, #tpu.memory_space<vmem>> -> memref<1x80xi32, #tpu.memory_space<vmem>>
        %dma_start3A_138 = tpu.memref_squeeze %dma_start3A_137 : memref<1x80xi32, #tpu.memory_space<vmem>> -> memref<80xi32, #tpu.memory_space<vmem>>
        %dma_start3A_139 = arith.constant 0 : i32
        %dma_start3A_140 = arith.constant 0 : i32
        %dma_start3A_141 = tpu.memref_slice %arg11[%dma_start3A_139, %dma_start3A_140] : memref<10000x128xf32, #tpu.memory_space<vmem_shared>> -> memref<10000x128xf32, #tpu.memory_space<vmem_shared>>
        tpu.enqueue_indirect_dma source(%arg8 : memref<80x128xf32, #tpu.memory_space<vmem>>) target(%dma_start3A_141 : memref<10000x128xf32, #tpu.memory_space<vmem_shared>>) offsets(%dma_start3A_138 : memref<80xi32, #tpu.memory_space<vmem>>) semaphore(%run_scoped3A_135 : memref<!tpu.dma_semaphore, #tpu.memory_space<semaphore_mem>>) {add = true}
        %dma_wait3A_142 = arith.constant 0 : i32
        %dma_wait3A_143 = tpu.memref_slice %arg7[%add3A_103, %dma_wait3A_142] : memref<125x80xi32, #tpu.memory_space<vmem>> -> memref<1x80xi32, #tpu.memory_space<vmem>>
        %dma_wait3A_144 = tpu.memref_squeeze %dma_wait3A_143 : memref<1x80xi32, #tpu.memory_space<vmem>> -> memref<80xi32, #tpu.memory_space<vmem>>
        %dma_wait3A_145 = arith.constant 0 : i32
        %dma_wait3A_146 = arith.constant 0 : i32
        %dma_wait3A_147 = tpu.memref_slice %arg11[%dma_wait3A_145, %dma_wait3A_146] : memref<10000x128xf32, #tpu.memory_space<vmem_shared>> -> memref<10000x128xf32, #tpu.memory_space<vmem_shared>>
        tpu.wait_indirect_dma semaphore(%run_scoped3A_135 : memref<!tpu.dma_semaphore, #tpu.memory_space<semaphore_mem>>) src(%arg8 : memref<80x128xf32, #tpu.memory_space<vmem>>) dst(%dma_wait3A_147 : memref<10000x128xf32, #tpu.memory_space<vmem_shared>>)
        tpu.yield
      }) : () -> ()
      %add3A_110 = arith.constant 2 : i32
      %add3A_111 = arith.addi %add3A_103, %add3A_110 : i32
      %mul3A_112 = arith.constant 80 : i32
      %mul3A_113 = arith.muli %add3A_111, %mul3A_112 : i32
      %dma_start3A_114 = tpu.memref_slice %arg6[%mul3A_113] : memref<10000xi32, #tpu.memory_space<vmem>> -> memref<80xi32, #tpu.memory_space<vmem>>
      %dma_start3A_115 = arith.constant 0 : i32
      %dma_start3A_116 = arith.constant 0 : i32
      %dma_start3A_117 = tpu.memref_slice %arg2[%dma_start3A_115, %dma_start3A_116] : memref<10000x128xf32, #tpu.memory_space<hbm>> -> memref<10000x128xf32, #tpu.memory_space<hbm>>
      tpu.enqueue_indirect_dma source(%dma_start3A_117 : memref<10000x128xf32, #tpu.memory_space<hbm>>) target(%arg8 : memref<80x128xf32, #tpu.memory_space<vmem>>) offsets(%dma_start3A_114 : memref<80xi32, #tpu.memory_space<vmem>>) semaphore(%arg12 : memref<!tpu.dma_semaphore, #tpu.memory_space<semaphore_mem>>)
      %add3A_118 = arith.constant 1 : i32
      %add3A_119 = arith.addi %add3A_103, %add3A_118 : i32
      %mul3A_120 = arith.constant 80 : i32
      %mul3A_121 = arith.muli %add3A_119, %mul3A_120 : i32
      %dma_wait3A_122 = tpu.memref_slice %arg6[%mul3A_121] : memref<10000xi32, #tpu.memory_space<vmem>> -> memref<80xi32, #tpu.memory_space<vmem>>
      %dma_wait3A_123 = arith.constant 0 : i32
      %dma_wait3A_124 = arith.constant 0 : i32
      %dma_wait3A_125 = tpu.memref_slice %arg2[%dma_wait3A_123, %dma_wait3A_124] : memref<10000x128xf32, #tpu.memory_space<hbm>> -> memref<10000x128xf32, #tpu.memory_space<hbm>>
      tpu.wait_indirect_dma semaphore(%arg13 : memref<!tpu.dma_semaphore, #tpu.memory_space<semaphore_mem>>) src(%dma_wait3A_125 : memref<10000x128xf32, #tpu.memory_space<hbm>>) dst(%arg9 : memref<80x128xf32, #tpu.memory_space<vmem>>)
      %add3A_126 = arith.constant 1 : i32
      %add3A_127 = arith.addi %add3A_103, %add3A_126 : i32
      "tpu.region"() ({
        %run_scoped3A_135 = tpu.sem_alloc : memref<!tpu.dma_semaphore, #tpu.memory_space<semaphore_mem>>
        %dma_start3A_136 = arith.constant 0 : i32
        %dma_start3A_137 = tpu.memref_slice %arg7[%add3A_127, %dma_start3A_136] : memref<125x80xi32, #tpu.memory_space<vmem>> -> memref<1x80xi32, #tpu.memory_space<vmem>>
        %dma_start3A_138 = tpu.memref_squeeze %dma_start3A_137 : memref<1x80xi32, #tpu.memory_space<vmem>> -> memref<80xi32, #tpu.memory_space<vmem>>
        %dma_start3A_139 = arith.constant 0 : i32
        %dma_start3A_140 = arith.constant 0 : i32
        %dma_start3A_141 = tpu.memref_slice %arg11[%dma_start3A_139, %dma_start3A_140] : memref<10000x128xf32, #tpu.memory_space<vmem_shared>> -> memref<10000x128xf32, #tpu.memory_space<vmem_shared>>
        tpu.enqueue_indirect_dma source(%arg9 : memref<80x128xf32, #tpu.memory_space<vmem>>) target(%dma_start3A_141 : memref<10000x128xf32, #tpu.memory_space<vmem_shared>>) offsets(%dma_start3A_138 : memref<80xi32, #tpu.memory_space<vmem>>) semaphore(%run_scoped3A_135 : memref<!tpu.dma_semaphore, #tpu.memory_space<semaphore_mem>>) {add = true}
        %dma_wait3A_142 = arith.constant 0 : i32
        %dma_wait3A_143 = tpu.memref_slice %arg7[%add3A_127, %dma_wait3A_142] : memref<125x80xi32, #tpu.memory_space<vmem>> -> memref<1x80xi32, #tpu.memory_space<vmem>>
        %dma_wait3A_144 = tpu.memref_squeeze %dma_wait3A_143 : memref<1x80xi32, #tpu.memory_space<vmem>> -> memref<80xi32, #tpu.memory_space<vmem>>
        %dma_wait3A_145 = arith.constant 0 : i32
        %dma_wait3A_146 = arith.constant 0 : i32
        %dma_wait3A_147 = tpu.memref_slice %arg11[%dma_wait3A_145, %dma_wait3A_146] : memref<10000x128xf32, #tpu.memory_space<vmem_shared>> -> memref<10000x128xf32, #tpu.memory_space<vmem_shared>>
        tpu.wait_indirect_dma semaphore(%run_scoped3A_135 : memref<!tpu.dma_semaphore, #tpu.memory_space<semaphore_mem>>) src(%arg9 : memref<80x128xf32, #tpu.memory_space<vmem>>) dst(%dma_wait3A_147 : memref<10000x128xf32, #tpu.memory_space<vmem_shared>>)
        tpu.yield
      }) : () -> ()
      %add3A_128 = arith.constant 3 : i32
      %add3A_129 = arith.addi %add3A_103, %add3A_128 : i32
      %lt3A_130 = arith.constant 125 : i32
      %lt3A_131 = arith.cmpi slt, %add3A_129, %lt3A_130 : i32
      %convert_element_type3A_132 = arith.extui %lt3A_131 : i1 to i32
      %cond3A_133 = arith.constant 0 : i32
      %cond3A_134 = arith.cmpi ne, %convert_element_type3A_132, %cond3A_133 : i32
      scf.if %cond3A_134 {
        %add3A_135 = arith.constant 3 : i32
        %add3A_136 = arith.addi %add3A_103, %add3A_135 : i32
        %mul3A_137 = arith.constant 80 : i32
        %mul3A_138 = arith.muli %add3A_136, %mul3A_137 : i32
        %dma_start3A_139 = tpu.memref_slice %arg6[%mul3A_138] : memref<10000xi32, #tpu.memory_space<vmem>> -> memref<80xi32, #tpu.memory_space<vmem>>
        %dma_start3A_140 = arith.constant 0 : i32
        %dma_start3A_141 = arith.constant 0 : i32
        %dma_start3A_142 = tpu.memref_slice %arg2[%dma_start3A_140, %dma_start3A_141] : memref<10000x128xf32, #tpu.memory_space<hbm>> -> memref<10000x128xf32, #tpu.memory_space<hbm>>
        tpu.enqueue_indirect_dma source(%dma_start3A_142 : memref<10000x128xf32, #tpu.memory_space<hbm>>) target(%arg9 : memref<80x128xf32, #tpu.memory_space<vmem>>) offsets(%dma_start3A_139 : memref<80xi32, #tpu.memory_space<vmem>>) semaphore(%arg13 : memref<!tpu.dma_semaphore, #tpu.memory_space<semaphore_mem>>)
      } else {
      }
    }
    %scan3A_85 = arith.constant 62 : i32
    %dma_wait3A_86 = arith.constant 9920 : i32
    %dma_wait3A_87 = tpu.memref_slice %arg6[%dma_wait3A_86] : memref<10000xi32, #tpu.memory_space<vmem>> -> memref<80xi32, #tpu.memory_space<vmem>>
    %dma_wait3A_88 = arith.constant 0 : i32
    %dma_wait3A_89 = arith.constant 0 : i32
    %dma_wait3A_90 = tpu.memref_slice %arg2[%dma_wait3A_88, %dma_wait3A_89] : memref<10000x128xf32, #tpu.memory_space<hbm>> -> memref<10000x128xf32, #tpu.memory_space<hbm>>
    tpu.wait_indirect_dma semaphore(%arg12 : memref<!tpu.dma_semaphore, #tpu.memory_space<semaphore_mem>>) src(%dma_wait3A_90 : memref<10000x128xf32, #tpu.memory_space<hbm>>) dst(%arg8 : memref<80x128xf32, #tpu.memory_space<vmem>>)
    %run_scoped3A = arith.constant 124 : i32
    "tpu.region"() ({
      %run_scoped3A_99 = tpu.sem_alloc : memref<!tpu.dma_semaphore, #tpu.memory_space<semaphore_mem>>
      %dma_start3A_100 = arith.constant 0 : i32
      %dma_start3A_101 = tpu.memref_slice %arg7[%run_scoped3A, %dma_start3A_100] : memref<125x80xi32, #tpu.memory_space<vmem>> -> memref<1x80xi32, #tpu.memory_space<vmem>>
      %dma_start3A_102 = tpu.memref_squeeze %dma_start3A_101 : memref<1x80xi32, #tpu.memory_space<vmem>> -> memref<80xi32, #tpu.memory_space<vmem>>
      %dma_start3A_103 = arith.constant 0 : i32
      %dma_start3A_104 = arith.constant 0 : i32
      %dma_start3A_105 = tpu.memref_slice %arg11[%dma_start3A_103, %dma_start3A_104] : memref<10000x128xf32, #tpu.memory_space<vmem_shared>> -> memref<10000x128xf32, #tpu.memory_space<vmem_shared>>
      tpu.enqueue_indirect_dma source(%arg8 : memref<80x128xf32, #tpu.memory_space<vmem>>) target(%dma_start3A_105 : memref<10000x128xf32, #tpu.memory_space<vmem_shared>>) offsets(%dma_start3A_102 : memref<80xi32, #tpu.memory_space<vmem>>) semaphore(%run_scoped3A_99 : memref<!tpu.dma_semaphore, #tpu.memory_space<semaphore_mem>>) {add = true}
      %dma_wait3A_106 = arith.constant 0 : i32
      %dma_wait3A_107 = tpu.memref_slice %arg7[%run_scoped3A, %dma_wait3A_106] : memref<125x80xi32, #tpu.memory_space<vmem>> -> memref<1x80xi32, #tpu.memory_space<vmem>>
      %dma_wait3A_108 = tpu.memref_squeeze %dma_wait3A_107 : memref<1x80xi32, #tpu.memory_space<vmem>> -> memref<80xi32, #tpu.memory_space<vmem>>
      %dma_wait3A_109 = arith.constant 0 : i32
      %dma_wait3A_110 = arith.constant 0 : i32
      %dma_wait3A_111 = tpu.memref_slice %arg11[%dma_wait3A_109, %dma_wait3A_110] : memref<10000x128xf32, #tpu.memory_space<vmem_shared>> -> memref<10000x128xf32, #tpu.memory_space<vmem_shared>>
      tpu.wait_indirect_dma semaphore(%run_scoped3A_99 : memref<!tpu.dma_semaphore, #tpu.memory_space<semaphore_mem>>) src(%arg8 : memref<80x128xf32, #tpu.memory_space<vmem>>) dst(%dma_wait3A_111 : memref<10000x128xf32, #tpu.memory_space<vmem_shared>>)
      tpu.yield
    }) : () -> ()
    %barrier3A_91 = arith.constant 0 : index
    tpu.barrier barrier_id(%barrier3A_91)
    %lt3A = arith.constant 15 : i32
    %lt3A_92 = arith.cmpi slt, %arg1, %lt3A : i32
    %convert_element_type3A = arith.extui %lt3A_92 : i1 to i32
    %cond3A = arith.constant 0 : i32
    %cond3A_93 = arith.cmpi ne, %convert_element_type3A, %cond3A : i32
    scf.if %cond3A_93 {
      "tpu.region"() ({
        %run_scoped3A_99 = tpu.sem_alloc : memref<!tpu.dma_semaphore, #tpu.memory_space<semaphore_mem>>
        %dma_start3A_100 = arith.constant 0 : i32
        %dma_start3A_101 = tpu.memref_slice %arg5[%arg0, %mul3A_20, %dma_start3A_100] : memref<2x10000x128xf32, #tpu.memory_space<hbm>> -> memref<1x624x128xf32, #tpu.memory_space<hbm>>
        %dma_start3A_102 = tpu.memref_squeeze %dma_start3A_101 : memref<1x624x128xf32, #tpu.memory_space<hbm>> -> memref<624x128xf32, #tpu.memory_space<hbm>>
        %dma_start3A_103 = arith.constant 0 : i32
        %dma_start3A_104 = tpu.memref_slice %arg11[%mul3A_20, %dma_start3A_103] : memref<10000x128xf32, #tpu.memory_space<vmem_shared>> -> memref<624x128xf32, #tpu.memory_space<vmem_shared>>
        tpu.enqueue_dma source(%dma_start3A_104 : memref<624x128xf32, #tpu.memory_space<vmem_shared>>) target(%dma_start3A_102 : memref<624x128xf32, #tpu.memory_space<hbm>>) target_semaphore(%run_scoped3A_99 : memref<!tpu.dma_semaphore, #tpu.memory_space<semaphore_mem>>)
        %dma_wait3A_105 = arith.constant 0 : i32
        %dma_wait3A_106 = tpu.memref_slice %arg5[%arg0, %mul3A_20, %dma_wait3A_105] : memref<2x10000x128xf32, #tpu.memory_space<hbm>> -> memref<1x624x128xf32, #tpu.memory_space<hbm>>
        %dma_wait3A_107 = tpu.memref_squeeze %dma_wait3A_106 : memref<1x624x128xf32, #tpu.memory_space<hbm>> -> memref<624x128xf32, #tpu.memory_space<hbm>>
        %dma_wait3A_108 = arith.constant 0 : i32
        %dma_wait3A_109 = tpu.memref_slice %arg11[%mul3A_20, %dma_wait3A_108] : memref<10000x128xf32, #tpu.memory_space<vmem_shared>> -> memref<624x128xf32, #tpu.memory_space<vmem_shared>>
        tpu.wait_dma2 semaphore(%run_scoped3A_99 : memref<!tpu.dma_semaphore, #tpu.memory_space<semaphore_mem>>) src(%dma_wait3A_109 : memref<624x128xf32, #tpu.memory_space<vmem_shared>>) dst(%dma_wait3A_107 : memref<624x128xf32, #tpu.memory_space<hbm>>)
        tpu.yield
      }) : () -> ()
    } else {
    }
    %eq3A_94 = arith.constant 15 : i32
    %eq3A_95 = arith.cmpi eq, %arg1, %eq3A_94 : i32
    %convert_element_type3A_96 = arith.extui %eq3A_95 : i1 to i32
    %cond3A_97 = arith.constant 0 : i32
    %cond3A_98 = arith.cmpi ne, %convert_element_type3A_96, %cond3A_97 : i32
    scf.if %cond3A_98 {
      "tpu.region"() ({
        %run_scoped3A_99 = tpu.sem_alloc : memref<!tpu.dma_semaphore, #tpu.memory_space<semaphore_mem>>
        %dma_start3A_100 = arith.constant 0 : i32
        %dma_start3A_101 = tpu.memref_slice %arg5[%arg0, %mul3A_20, %dma_start3A_100] : memref<2x10000x128xf32, #tpu.memory_space<hbm>> -> memref<1x640x128xf32, #tpu.memory_space<hbm>>
        %dma_start3A_102 = tpu.memref_squeeze %dma_start3A_101 : memref<1x640x128xf32, #tpu.memory_space<hbm>> -> memref<640x128xf32, #tpu.memory_space<hbm>>
        %dma_start3A_103 = arith.constant 0 : i32
        %dma_start3A_104 = tpu.memref_slice %arg11[%mul3A_20, %dma_start3A_103] : memref<10000x128xf32, #tpu.memory_space<vmem_shared>> -> memref<640x128xf32, #tpu.memory_space<vmem_shared>>
        tpu.enqueue_dma source(%dma_start3A_104 : memref<640x128xf32, #tpu.memory_space<vmem_shared>>) target(%dma_start3A_102 : memref<640x128xf32, #tpu.memory_space<hbm>>) target_semaphore(%run_scoped3A_99 : memref<!tpu.dma_semaphore, #tpu.memory_space<semaphore_mem>>)
        %dma_wait3A_105 = arith.constant 0 : i32
        %dma_wait3A_106 = tpu.memref_slice %arg5[%arg0, %mul3A_20, %dma_wait3A_105] : memref<2x10000x128xf32, #tpu.memory_space<hbm>> -> memref<1x640x128xf32, #tpu.memory_space<hbm>>
        %dma_wait3A_107 = tpu.memref_squeeze %dma_wait3A_106 : memref<1x640x128xf32, #tpu.memory_space<hbm>> -> memref<640x128xf32, #tpu.memory_space<hbm>>
        %dma_wait3A_108 = arith.constant 0 : i32
        %dma_wait3A_109 = tpu.memref_slice %arg11[%mul3A_20, %dma_wait3A_108] : memref<10000x128xf32, #tpu.memory_space<vmem_shared>> -> memref<640x128xf32, #tpu.memory_space<vmem_shared>>
        tpu.wait_dma2 semaphore(%run_scoped3A_99 : memref<!tpu.dma_semaphore, #tpu.memory_space<semaphore_mem>>) src(%dma_wait3A_109 : memref<640x128xf32, #tpu.memory_space<vmem_shared>>) dst(%dma_wait3A_107 : memref<640x128xf32, #tpu.memory_space<hbm>>)
        tpu.yield
      }) : () -> ()
    } else {
    }
    return
  }
}

module attributes {stable_mosaic.version = 14 : i64} {
  func.func @_mlp_body(%arg0: memref<10000x128xf32, #tpu.memory_space<vmem>>, %arg1: memref<10000x128xf32, #tpu.memory_space<vmem>>, %arg2: memref<10000x128xf32, #tpu.memory_space<vmem>>, %arg3: memref<1x10000xi32, #tpu.memory_space<vmem>>, %arg4: memref<128x128xf32, #tpu.memory_space<vmem>>, %arg5: memref<1x128xf32, #tpu.memory_space<vmem>>, %arg6: memref<128x128xf32, #tpu.memory_space<vmem>>, %arg7: memref<1x128xf32, #tpu.memory_space<vmem>>, %arg8: memref<10000x128xf32, #tpu.memory_space<vmem>>, %arg9: memref<64x128xf32, #tpu.memory_space<vmem>>) attributes {dimension_semantics = [], scalar_prefetch = 0 : i64, scratch_operands = 0 : i64, tpu.core_type = #tpu.core_type<tc>} {
    %get3A = arith.constant 0 : index
    %get3A_0 = arith.constant 0 : index
    %get3A_1 = vector.load %arg0[%get3A, %get3A_0] : memref<10000x128xf32, #tpu.memory_space<vmem>>, vector<10000x128xf32>
    %get3A_2 = arith.constant 0 : index
    %get3A_3 = arith.constant 0 : index
    %get3A_4 = vector.load %arg1[%get3A_2, %get3A_3] : memref<10000x128xf32, #tpu.memory_space<vmem>>, vector<10000x128xf32>
    %add3A = arith.addf %get3A_1, %get3A_4 : vector<10000x128xf32>
    %get3A_5 = arith.constant 0 : index
    %get3A_6 = arith.constant 0 : index
    %get3A_7 = vector.load %arg2[%get3A_5, %get3A_6] : memref<10000x128xf32, #tpu.memory_space<vmem>>, vector<10000x128xf32>
    %add3A_8 = arith.addf %add3A, %get3A_7 : vector<10000x128xf32>
    %get3A_9 = arith.constant 0 : index
    %get3A_10 = arith.constant 0 : index
    %get3A_11 = vector.load %arg4[%get3A_9, %get3A_10] : memref<128x128xf32, #tpu.memory_space<vmem>>, vector<128x128xf32>
    %dot_general3A = arith.constant dense<0.000000e+00> : vector<10000x128xf32>
    %dot_general3A_12 = tpu.matmul %add3A_8, %get3A_11, %dot_general3A {dimension_numbers = #tpu.dot_dimension_numbers<[1], [0], [0], [1], [0, 0, 1, 1], [], []>, transpose_lhs_hint = false} : vector<10000x128xf32>, vector<128x128xf32>, vector<10000x128xf32> -> vector<10000x128xf32>
    %get3A_13 = arith.constant 0 : index
    %get3A_14 = arith.constant 0 : index
    %get3A_15 = vector.load %arg5[%get3A_13, %get3A_14] : memref<1x128xf32, #tpu.memory_space<vmem>>, vector<1x128xf32>
    %add3A_16 = vector.broadcast %get3A_15 : vector<1x128xf32> to vector<10000x128xf32>
    %add3A_17 = arith.addf %dot_general3A_12, %add3A_16 : vector<10000x128xf32>
    %max3A = arith.constant 0.000000e+00 : f32
    %max3A_18 = vector.broadcast %max3A : f32 to vector<10000x128xf32>
    %max3A_19 = arith.maximumf %add3A_17, %max3A_18 : vector<10000x128xf32>
    %get3A_20 = arith.constant 0 : index
    %get3A_21 = arith.constant 0 : index
    %get3A_22 = vector.load %arg6[%get3A_20, %get3A_21] : memref<128x128xf32, #tpu.memory_space<vmem>>, vector<128x128xf32>
    %dot_general3A_23 = arith.constant dense<0.000000e+00> : vector<10000x128xf32>
    %dot_general3A_24 = tpu.matmul %max3A_19, %get3A_22, %dot_general3A_23 {dimension_numbers = #tpu.dot_dimension_numbers<[1], [0], [0], [1], [0, 0, 1, 1], [], []>, transpose_lhs_hint = false} : vector<10000x128xf32>, vector<128x128xf32>, vector<10000x128xf32> -> vector<10000x128xf32>
    %get3A_25 = arith.constant 0 : index
    %get3A_26 = arith.constant 0 : index
    %get3A_27 = vector.load %arg7[%get3A_25, %get3A_26] : memref<1x128xf32, #tpu.memory_space<vmem>>, vector<1x128xf32>
    %add3A_28 = vector.broadcast %get3A_27 : vector<1x128xf32> to vector<10000x128xf32>
    %add3A_29 = arith.addf %dot_general3A_24, %add3A_28 : vector<10000x128xf32>
    %max3A_30 = arith.constant 0.000000e+00 : f32
    %max3A_31 = vector.broadcast %max3A_30 : f32 to vector<10000x128xf32>
    %max3A_32 = arith.maximumf %add3A_29, %max3A_31 : vector<10000x128xf32>
    %swap3A = arith.constant 0 : index
    %swap3A_33 = arith.constant 0 : index
    %swap3A_34 = vector.load %arg8[%swap3A, %swap3A_33] : memref<10000x128xf32, #tpu.memory_space<vmem>>, vector<10000x128xf32>
    tpu.vector_store %arg8[%swap3A, %swap3A_33], %max3A_32 {strides = array<i32>} : memref<10000x128xf32, #tpu.memory_space<vmem>>, vector<10000x128xf32>,
    %get3A_35 = arith.constant 0 : index
    %get3A_36 = arith.constant 0 : index
    %get3A_37 = vector.load %arg3[%get3A_35, %get3A_36] : memref<1x10000xi32, #tpu.memory_space<vmem>>, vector<1x10000xi32>
    %get3A_38 = vector.shape_cast %get3A_37 : vector<1x10000xi32> to vector<10000xi32>
    %broadcast_in_dim3A = vector.shape_cast %get3A_38 : vector<10000xi32> to vector<1x10000xi32>
    %iota3A = tpu.iota {dimensions = array<i32: 0>} : vector<64x10000xi32>
    %eq3A = vector.broadcast %broadcast_in_dim3A : vector<1x10000xi32> to vector<64x10000xi32>
    %eq3A_39 = arith.cmpi eq, %eq3A, %iota3A : vector<64x10000xi32>
    %convert_element_type3A = arith.extui %eq3A_39 : vector<64x10000xi1> to vector<64x10000xi32>
    %convert_element_type3A_40 = arith.sitofp %convert_element_type3A : vector<64x10000xi32> to vector<64x10000xf32>
    %dot_general3A_41 = arith.constant dense<0.000000e+00> : vector<64x128xf32>
    %dot_general3A_42 = tpu.matmul %convert_element_type3A_40, %max3A_32, %dot_general3A_41 {dimension_numbers = #tpu.dot_dimension_numbers<[1], [0], [0], [1], [0, 0, 1, 1], [], []>, transpose_lhs_hint = false} : vector<64x10000xf32>, vector<10000x128xf32>, vector<64x128xf32> -> vector<64x128xf32>
    %swap3A_43 = arith.constant 0 : index
    %swap3A_44 = arith.constant 0 : index
    %swap3A_45 = vector.load %arg9[%swap3A_43, %swap3A_44] : memref<64x128xf32, #tpu.memory_space<vmem>>, vector<64x128xf32>
    tpu.vector_store %arg9[%swap3A_43, %swap3A_44], %dot_general3A_42 {strides = array<i32>} : memref<64x128xf32, #tpu.memory_space<vmem>>, vector<64x128xf32>,
    return
  }
}

module attributes {stable_mosaic.version = 14 : i64} {
  func.func @_mlp_last_body(%arg0: memref<10000x128xf32, #tpu.memory_space<vmem>>, %arg1: memref<10000x128xf32, #tpu.memory_space<vmem>>, %arg2: memref<10000x128xf32, #tpu.memory_space<vmem>>, %arg3: memref<1x10000xi32, #tpu.memory_space<vmem>>, %arg4: memref<128x128xf32, #tpu.memory_space<vmem>>, %arg5: memref<1x128xf32, #tpu.memory_space<vmem>>, %arg6: memref<128x128xf32, #tpu.memory_space<vmem>>, %arg7: memref<1x128xf32, #tpu.memory_space<vmem>>, %arg8: memref<64x128xf32, #tpu.memory_space<vmem>>) attributes {dimension_semantics = [], scalar_prefetch = 0 : i64, scratch_operands = 0 : i64, tpu.core_type = #tpu.core_type<tc>} {
    %get3A = arith.constant 0 : index
    %get3A_0 = arith.constant 0 : index
    %get3A_1 = vector.load %arg0[%get3A, %get3A_0] : memref<10000x128xf32, #tpu.memory_space<vmem>>, vector<10000x128xf32>
    %get3A_2 = arith.constant 0 : index
    %get3A_3 = arith.constant 0 : index
    %get3A_4 = vector.load %arg1[%get3A_2, %get3A_3] : memref<10000x128xf32, #tpu.memory_space<vmem>>, vector<10000x128xf32>
    %add3A = arith.addf %get3A_1, %get3A_4 : vector<10000x128xf32>
    %get3A_5 = arith.constant 0 : index
    %get3A_6 = arith.constant 0 : index
    %get3A_7 = vector.load %arg2[%get3A_5, %get3A_6] : memref<10000x128xf32, #tpu.memory_space<vmem>>, vector<10000x128xf32>
    %add3A_8 = arith.addf %add3A, %get3A_7 : vector<10000x128xf32>
    %get3A_9 = arith.constant 0 : index
    %get3A_10 = arith.constant 0 : index
    %get3A_11 = vector.load %arg4[%get3A_9, %get3A_10] : memref<128x128xf32, #tpu.memory_space<vmem>>, vector<128x128xf32>
    %dot_general3A = arith.constant dense<0.000000e+00> : vector<10000x128xf32>
    %dot_general3A_12 = tpu.matmul %add3A_8, %get3A_11, %dot_general3A {dimension_numbers = #tpu.dot_dimension_numbers<[1], [0], [0], [1], [0, 0, 1, 1], [], []>, transpose_lhs_hint = false} : vector<10000x128xf32>, vector<128x128xf32>, vector<10000x128xf32> -> vector<10000x128xf32>
    %get3A_13 = arith.constant 0 : index
    %get3A_14 = arith.constant 0 : index
    %get3A_15 = vector.load %arg5[%get3A_13, %get3A_14] : memref<1x128xf32, #tpu.memory_space<vmem>>, vector<1x128xf32>
    %add3A_16 = vector.broadcast %get3A_15 : vector<1x128xf32> to vector<10000x128xf32>
    %add3A_17 = arith.addf %dot_general3A_12, %add3A_16 : vector<10000x128xf32>
    %max3A = arith.constant 0.000000e+00 : f32
    %max3A_18 = vector.broadcast %max3A : f32 to vector<10000x128xf32>
    %max3A_19 = arith.maximumf %add3A_17, %max3A_18 : vector<10000x128xf32>
    %get3A_20 = arith.constant 0 : index
    %get3A_21 = arith.constant 0 : index
    %get3A_22 = vector.load %arg6[%get3A_20, %get3A_21] : memref<128x128xf32, #tpu.memory_space<vmem>>, vector<128x128xf32>
    %dot_general3A_23 = arith.constant dense<0.000000e+00> : vector<10000x128xf32>
    %dot_general3A_24 = tpu.matmul %max3A_19, %get3A_22, %dot_general3A_23 {dimension_numbers = #tpu.dot_dimension_numbers<[1], [0], [0], [1], [0, 0, 1, 1], [], []>, transpose_lhs_hint = false} : vector<10000x128xf32>, vector<128x128xf32>, vector<10000x128xf32> -> vector<10000x128xf32>
    %get3A_25 = arith.constant 0 : index
    %get3A_26 = arith.constant 0 : index
    %get3A_27 = vector.load %arg7[%get3A_25, %get3A_26] : memref<1x128xf32, #tpu.memory_space<vmem>>, vector<1x128xf32>
    %add3A_28 = vector.broadcast %get3A_27 : vector<1x128xf32> to vector<10000x128xf32>
    %add3A_29 = arith.addf %dot_general3A_24, %add3A_28 : vector<10000x128xf32>
    %max3A_30 = arith.constant 0.000000e+00 : f32
    %max3A_31 = vector.broadcast %max3A_30 : f32 to vector<10000x128xf32>
    %max3A_32 = arith.maximumf %add3A_29, %max3A_31 : vector<10000x128xf32>
    %get3A_33 = arith.constant 0 : index
    %get3A_34 = arith.constant 0 : index
    %get3A_35 = vector.load %arg3[%get3A_33, %get3A_34] : memref<1x10000xi32, #tpu.memory_space<vmem>>, vector<1x10000xi32>
    %get3A_36 = vector.shape_cast %get3A_35 : vector<1x10000xi32> to vector<10000xi32>
    %broadcast_in_dim3A = vector.shape_cast %get3A_36 : vector<10000xi32> to vector<1x10000xi32>
    %iota3A = tpu.iota {dimensions = array<i32: 0>} : vector<64x10000xi32>
    %eq3A = vector.broadcast %broadcast_in_dim3A : vector<1x10000xi32> to vector<64x10000xi32>
    %eq3A_37 = arith.cmpi eq, %eq3A, %iota3A : vector<64x10000xi32>
    %convert_element_type3A = arith.extui %eq3A_37 : vector<64x10000xi1> to vector<64x10000xi32>
    %convert_element_type3A_38 = arith.sitofp %convert_element_type3A : vector<64x10000xi32> to vector<64x10000xf32>
    %dot_general3A_39 = arith.constant dense<0.000000e+00> : vector<64x128xf32>
    %dot_general3A_40 = tpu.matmul %convert_element_type3A_38, %max3A_32, %dot_general3A_39 {dimension_numbers = #tpu.dot_dimension_numbers<[1], [0], [0], [1], [0, 0, 1, 1], [], []>, transpose_lhs_hint = false} : vector<64x10000xf32>, vector<10000x128xf32>, vector<64x128xf32> -> vector<64x128xf32>
    %swap3A = arith.constant 0 : index
    %swap3A_41 = arith.constant 0 : index
    %swap3A_42 = vector.load %arg8[%swap3A, %swap3A_41] : memref<64x128xf32, #tpu.memory_space<vmem>>, vector<64x128xf32>
    tpu.vector_store %arg8[%swap3A, %swap3A_41], %dot_general3A_40 {strides = array<i32>} : memref<64x128xf32, #tpu.memory_space<vmem>>, vector<64x128xf32>,
    return
  }
}

</mosaic_0001>

<sc_bundles>
// kernel: kernel.11.cloned.1.call-start
scs
__scs_entry_jumppad:
0x0: {  	(pc) =	sbr.rel $0x88, $3  }
0x1: {  	(tag) =	ssettag $0x0;
	lr =	simm.s32 $0x1  }
0x2: {  	[smem:$0x3F92] =	sst lr;
	_ =	strace $0xD0000000  }
0x3: {  	_ = 	snop  }
0x4: {  	_ = 	snop  }
0x5: {  	_ = 	snop  }
0x6: {  	_ = 	snop  }
0x7: {  	_ = 	snop  }
__scs_overlays_trampoline_lowered:
0x8: {  	[smem:$0x3FA1] =	sst s0  }
0x9: {  	[smem:$0x3FA2] =	sst s1  }
0xa: {  	[smem:$0x3FA3] =	sst s2  }
0xb: {  	[smem:$0x3FA4] =	sst s3  }
0xc: {  	[smem:$0x3FA5] =	sst s4  }
0xd: {  	[smem:$0x3FA6] =	sst s5  }
0xe: {  	[smem:$0x3FA7] =	sst s6  }
0xf: {  	[smem:$0x3FA8] =	sst s7  }
0x10: {  	[smem:$0x3FA9] =	sst s8  }
0x11: {  	[smem:$0x3FAA] =	sst s9;
	s0 =	simm.s32 @!p0 $0x0  }
0x12: {  	s1 =	sld [smem:$0x3F90];
	s0 =	simm.s32 @p0 $0x1  }
0x13: {  	[smem:$0x3FAB] =	sst s0;
	s0 =	simm.s32 @!p1 $0x0  }
0x14: {  	s2 =	sld [smem:$0x3F8F];
	s0 =	simm.s32 @p1 $0x1  }
0x15: {  	[smem:$0x3FAC] =	sst s0;
	s0 =	simm.s32 @!p2 $0x0  }
0x16: {  	s3 =	sld [smem:$0x3FDB];
	s0 =	simm.s32 @p2 $0x1  }
0x17: {  	s4 =	simm.s32 $0x1BF5;
	[smem:$0x3FAE] =	sst s0  }
0x18: {  	s0 =	sld [smem:$0x3F91];
	_ =	swait.ge [sflag:s4], $0x0  }
0x19: {  	s7 =	sld [smem:$0x3F92]  }
0x1a: {  	s8 =	sadd.s32 $0xFFFFE003, lr  }
0x1b: {  	s9 =	sadd.s32 $0xFFFFFEF7, lr;
	s5 =	simm.s32 $0xFFFFFFFF;
	p2 =	slt.u32 s8, $0xFFFFF086  }
0x1c: {  	p1 =	slt.u32 s9, $0xF7A;
	s5 =	simm.s32 @!p2 $0x0  }
0x1d: {  	s5 =	simm.s32 @p1 $0x1;
	p0 =	seq.s32 s7, s2  }
0x1e: {  	s7 =	smul.u32 @!p0 $0xF7A, s2;
	p2 =	seq.s32 @!p0 s5, $0x0  }
0x1f: {  	s9 =	smul.u32 $0xF7A, s1;
	s8 =	simm.s32 @!p0 $0x1BF5;
	p2 =	por !p2, p0  }
0x20: {  	[sflag:s8] =	ssyncset.s32 @!p0 $0xFFFFF086;
	s6 =	sadd.s32 @!p0 s3, s7;
	s7 =	simm.s32 @!p0 $0x108  }
0x21: {  	s3 =	sadd.s32 s3, s9;
	s6 =	sadd.s32 @!p0 $0x88, s6;
	s7 =	simm.s32 @p2 $0x1082  }
0x22: {  	[simem:s7], [sflag:s8] =	dma.local @!p0 [hbm:s6], $0xF7A  }
0x23: {  	s9 =	sor.u32 $0xD0000000, s2;
	s6 =	simm.s32 $0x108;
	_ =	swait.ge @!p0 [sflag:s8], $0x0  }
0x24: {  	s3 =	sadd.s32 $0x88, s3;
	s6 =	simm.s32 @!p1 $0x1082;
	[sflag:s4] =	ssyncset.s32 $0xFFFFF086  }
0x25: {  	[simem:s6], [sflag:s4] =	dma.local [hbm:s3], $0xF7A  }
0x26: {  	[smem:$0x3F92] =	sst s1;
	(tag) =	ssettag s2;
	_ =	strace s9  }
0x27: {  	s1 =	sld [smem:$0x3FA2]  }
0x28: {  	s2 =	sld [smem:$0x3FA3]  }
0x29: {  	s4 =	sld [smem:$0x3FA5]  }
0x2a: {  	p0 =	seq.s32 s5, $0x0;
	s5 =	sld [smem:$0x3FA6]  }
0x2b: {  	s6 =	sld [smem:$0x3FA7]  }
0x2c: {  	s7 =	sld [smem:$0x3FA8]  }
0x2d: {  	s3 =	simm.s32 $0x108;
	s8 =	sld [smem:$0x3FA9]  }
0x2e: {  	s3 =	simm.s32 @!p0 $0x1082;
	s9 =	sld [smem:$0x3FAA]  }
0x2f: {  	lr =	sadd.s32 s0, s3;
	s0 =	sld [smem:$0x3FA1]  }
0x30: {  	s3 =	sld [smem:$0x3FA4]  }
0x31: {  	[smem:$0x3FAD] =	sst s10  }
0x32: {  	s10 =	sld [smem:$0x3FAB];
	_ =	sdelay $0x3  }
0x33: {  	p0 =	seq.s32 s10, $0x1;
	s10 =	sld [smem:$0x3FAD];
	_ =	sdelay $0x3  }
0x34: {  	[smem:$0x3FAD] =	sst s10  }
0x35: {  	s10 =	sld [smem:$0x3FAC];
	_ =	sdelay $0x3  }
0x36: {  	p1 =	seq.s32 s10, $0x1;
	s10 =	sld [smem:$0x3FAD];
	_ =	sdelay $0x3  }
0x37: {  	[smem:$0x3FAD] =	sst s10  }
0x38: {  	s10 =	sld [smem:$0x3FAE]  }
0x39: {  	_ = 	snop;
	(pc) =	sbr.ind lr, $3  }
0x3a: {  	_ = 	snop  }
0x3b: {  	_ = 	snop  }
0x3c: {  	p2 =	seq.s32 s10, $0x1;
	s10 =	sld [smem:$0x3FAD]  }
0x3d: {  	_ =	shalt  }
0x3e: {  	_ =	shalt  }
0x3f: {  	_ =	shalt  }
0x40: {  	_ =	shalt  }
0x41: {  	_ =	shalt  }
0x42: {  	_ =	shalt  }
0x43: {  	_ =	shalt  }
0x44: {  	_ =	shalt  }
0x45: {  	_ =	shalt  }
0x46: {  	_ =	shalt  }
0x47: {  	_ =	shalt  }
0x48: {  	_ =	shalt  }
0x49: {  	_ =	shalt  }
0x4a: {  	_ =	shalt  }
0x4b: {  	_ =	shalt  }
0x4c: {  	_ =	shalt  }
0x4d: {  	_ =	shalt  }
0x4e: {  	_ =	shalt  }
0x4f: {  	_ =	shalt  }
0x50: {  	_ =	shalt  }
0x51: {  	_ =	shalt  }
0x52: {  	_ =	shalt  }
0x53: {  	_ =	shalt  }
0x54: {  	_ =	shalt  }
0x55: {  	_ =	shalt  }
0x56: {  	_ =	shalt  }
0x57: {  	_ =	shalt  }
0x58: {  	_ =	shalt  }
0x59: {  	_ =	shalt  }
0x5a: {  	_ =	shalt  }
0x5b: {  	_ =	shalt  }
0x5c: {  	_ =	shalt  }
0x5d: {  	_ =	shalt  }
0x5e: {  	_ =	shalt  }
0x5f: {  	_ =	shalt  }
0x60: {  	_ =	shalt  }
0x61: {  	_ =	shalt  }
0x62: {  	_ =	shalt  }
0x63: {  	_ =	shalt  }
0x64: {  	_ =	shalt  }
0x65: {  	_ =	shalt  }
0x66: {  	_ =	shalt  }
0x67: {  	_ =	shalt  }
0x68: {  	_ =	shalt  }
0x69: {  	_ =	shalt  }
0x6a: {  	_ =	shalt  }
0x6b: {  	_ =	shalt  }
0x6c: {  	_ =	shalt  }
0x6d: {  	_ =	shalt  }
0x6e: {  	_ =	shalt  }
0x6f: {  	_ =	shalt  }
0x70: {  	_ =	shalt  }
0x71: {  	_ =	shalt  }
0x72: {  	_ =	shalt  }
0x73: {  	_ =	shalt  }
0x74: {  	_ =	shalt  }
0x75: {  	_ =	shalt  }
0x76: {  	_ =	shalt  }
0x77: {  	_ =	shalt  }
0x78: {  	_ =	shalt  }
0x79: {  	_ =	shalt  }
0x7a: {  	_ =	shalt  }
0x7b: {  	_ =	shalt  }
0x7c: {  	_ =	shalt  }
0x7d: {  	_ =	shalt  }
0x7e: {  	_ =	shalt  }
0x7f: {  	_ =	shalt  }
0x80: {  	_ =	shalt  }
0x81: {  	_ =	shalt  }
0x82: {  	_ =	shalt  }
0x83: {  	_ =	shalt  }
0x84: {  	_ =	shalt  }
0x85: {  	_ =	shalt  }
0x86: {  	_ =	shalt  }
0x87: {  	_ =	shalt  }
.Lfunc_end0:
.L_simem_size_0:
called_computation.1_lowered:
.L_overlay_start_0:
0x88: {  	s2 =	sld [smem:$0x3FD9]  }
0x89: {  	s3 =	sld [smem:$0x3FFE];
	_ =	sdelay $0x1  }
0x8a: {  	s1 =	srdreg.scid  }
0x8b: {  	s0 =	sand.u32 $0x1, s1  }
0x8c: {  	s16 =	sshll.u32 s0, $0xA;
	s2 =	sadd.s32 s3, s2  }
0x8d: {  	s2 =	sadd.s32 s2, s16  }
0x8e: {  	[smem:$0x3FB9] =	sst s2  }
0x8f: {  	_ = 	snop  }
0x90: {  	(tm) =	ssettm $0x1  }
0x91: {  	s17 =	sld [smem:$0x3FFB];
	_ =	sdelay $0x3  }
0x92: {  	_ =	strace s17  }
0x93: {  	s2 =	sld [smem:$0x3FFC];
	_ =	sdelay $0x3  }
0x94: {  	_ =	strace s2  }
0x95: {  	s2 =	sld [smem:$0x3FFD];
	_ =	sdelay $0x3  }
0x96: {  	_ =	strace s2  }
0x97: {  	_ =	strace $0x8FFFFFFF  }
0x98: {  	s18 =	sld [smem:$0x3FDB];
	_ =	sdelay $0x1  }
0x99: {  	s19 =	simm.s32 $_scs_section_size  }
0x9a: {  	s4 =	simm.s32 $_size__tile_overlayer_lowered;
	s5 =	simm.s32 $_tile_overlayer_lowered  }
0x9b: {  	s22 =	simm.s32 $0x1BFF;
	s21 =	sshll.u32 s5, $0x1;
	s2 =	sadd.s32 s19, s18  }
0x9c: {  	s6 =	simm.s32 $0x0;
	s20 =	sshll.u32 s4, $0x1;
	s4 =	sadd.s32 s21, s2  }
0x9d: {  	[timem:s6], [sflag:s22] =	dma.local [hbm:s4], s20  }
0x9e: {  	_ =	swait.ge [sflag:s22], s20  }
0x9f: {  	s3 =	ssub.s32 $0x0, s20;
	[sflag:s22] =	ssyncset.done $0x0  }
0xa0: {  	[sflag:s22] =	ssyncadd.s32 s3;
	_ =	sdelay $0x1  }
0xa1: {  	s23 =	simm.s32 $0x1B8B  }
0xa2: {  	_ =	swait.ge [sflag:s23], $0x1  }
0xa3: {  	[sflag:s23] =	ssyncset.done $0x0  }
0xa4: {  	s25 =	simm.s32 $0x1B8E;
	s24 =	sld [smem:$0x3FFE];
	[sflag:s23] =	ssyncadd.s32 $0xFFFFFFFF  }
0xa5: {  	s26 =	simm.s32 $execute0_lowered;
	[smem:$0x3FD2] =	sst s25  }
0xa6: {  	s4 =	sshll.u32 s26, $0x1;
	_ =	strace $0x80000049;
	[dreg:$0x1] =	wrdreg $0xFFFFFFFF  }
0xa7: {  	s28 =	simm.s32 $_size_execute0_lowered;
	s2 =	sadd.s32 s2, s4;
	[dreg:$0x0] =	wrdreg $0x0  }
0xa8: {  	s4 =	sshll.u32 s28, $0x1;
	[dreg:$0x2] =	wrdreg s2  }
0xa9: {  	[dreg:$0x3] =	wrdreg s4  }
0xaa: {  	[dreg:$0x4] =	wrdreg $0xC0  }
0xab: {  	_ =	task [dreg:s6], $0x5FFFF  }
0xac: {  	[dreg:$0x1] =	wrdreg $0xFFFFFFFF  }
0xad: {  	[dreg:$0x0] =	wrdreg $0x60  }
0xae: {  	[dreg:$0x2] =	wrdreg s24  }
0xaf: {  	[dreg:$0x3] =	wrdreg $0xBB800  }
0xb0: {  	[dreg:$0x4] =	wrdreg $0x9  }
0xb1: {  	_ =	task.clear_ibuf [dreg:s6], $0x5FFFF;
	_ =	strace $0x90000049  }
0xb2: {  	s29 =	simm.s32 $0x9;
	_ =	strace $0x8000004B  }
0xb3: {  	_ =	swait.ge [sflag:s29], $0x1  }
0xb4: {  	[sflag:s29] =	ssyncadd.s32 $0xFFFFFFFF  }
0xb5: {  	_ =	strace $0x9000004B  }
0xb6: {  	_ =	sfence  }
0xb7: {  	s30 =	sld [smem:$0x0];
	_ =	sdelay $0x2  }
0xb8: {  	s31 =	sshll.u32 s1, $0xD;
	s1 =	sshrl.u32 s1, $0x2  }
0xb9: {  	s3 =	sand.u32 $0x4000, s31;
	s1 =	sadd.s32 s1, s30  }
0xba: {  	s0 =	sor.u32 s3, s0;
	s1 =	sshll.u32 s1, $0x11  }
0xbb: {  	s0 =	sor.u32 s1, s0  }
0xbc: {  	s0 =	sadd.s32 $0x8F2B, s0  }
0xbd: {  	[sflag:s0] =	ssyncadd.remote.s32 $0x1  }
0xbe: {  	_ =	sfence.sel $0xFFFF  }
0xbf: {  	[dreg:$0x0] =	wrdreg $0xFFFFFFFF;
	(pc) =	sbr.abs _section_cstart, $3  }
0xc0: {  	[dreg:$0x1] =	wrdreg $0xFFFFFFFF  }
0xc1: {  	_ =	task.clear_ibuf [dreg:s6], $0x2FFFF;
	_ =	strace $0x9FFFFFFF  }
0xc2: {  	(tm) =	ssettm $0x7FFFFFFF  }
0xc3: {  	_ =	shalt  }
tec
execute0_lowered:
.L_overlay_start_1:
0x0: {  	(tag) =	ssettag $0x1  }
0x1: {  	s1 =	srdreg.scid  }
0x2: {  	s0 =	stileid.u32;
	s5 =	rddreg [dreg:$0x0];
	s14 =	simm.s32 $0x400  }
0x3: {  	s15 =	simm.s32 $0x2780;
	s16 =	simm.s32 $0xB780;
	s17 =	simm.s32 $0x1  }
0x4: {  	s18 =	simm.s32 $0x2;
	s19 =	simm.s32 $0x6780;
	s20 =	simm.s32 $0x8F80  }
0x5: {  	s21 =	simm.s32 $0x3;
	s22 =	simm.s32 $0x4;
	s23 =	simm.s32 $0x6480  }
0x6: {  	s24 =	simm.s32 $0x26C0;
	s26 =	simm.s32 $0x6500;
	s28 =	simm.s32 $0x6580  }
0x7: {  	s29 =	simm.s32 $0x0;
	s1 =	sand.u32 $0x1, s1;
	s2 =	sshll.u32 s0, $0x1  }
0x8: {  	s3 =	sshrl.u32 s0, $0x2;
	s10 =	sadd.s32 $0x44E00, s5;
	s9 =	smul.u32 $0x13800, s0  }
0x9: {  	p0 =	seq.s32 s0, $0xF;
	s11 =	smul.u32 $0x4E000, s0;
	s6 =	sor.u32 s1, s2  }
0xa: {  	s2 =	rddreg [dreg:$0x1];
	s4 =	smul.u32 $0x13C00, s3;
	s3 =	simm.s32 $0x0  }
0xb: {  	s8 =	ssub.s32 $0x2, s1;
	s1 =	smul.u32 $0x138800, s1;
	s7 =	sshll.u32 s6, $0x7  }
0xc: {  	[smem:$0x7FF] =	sst s3;
	s6 =	sshll.u32 s6, $0xB;
	s31 =	sshrl.u32 s8, $0x1  }
0xd: {  	s11 =	sshrl.u32 s11, $0x2;
	s7 =	sand.u32 $0x380, s7;
	_ =	strace $0x8000004A  }
0xe: {  	s6 =	sadd.s32 s6, s5;
	s12 =	ssub.s32 s8, s31;
	s8 =	simm.s32 $0x50  }
0xf: {  	s9 =	sadd.s32 s9, s1;
	s1 =	sshrl.u32 s1, $0x3;
	s7 =	sor.u32 s4, s7  }
0x10: {  	s4 =	sadd.s32 $0x1DC00, s5;
	s6 =	sadd.s32 $0x3E00, s6;
	s8 =	simm.s32 @!p0 $0x4E  }
0x11: {  	s13 =	sshrl.u32 s9, $0x3;
	s1 =	sadd.s32 s10, s1;
	s9 =	sadd.s32 s11, s2  }
0x12: {  	s12 =	smax.u32 s12, $0x1;
	s7 =	sshrl.u32 s7, $0x3;
	s10 =	sadd.s32 s10, s13  }
0x13: {  	s11 =	sadd.s32 $0x24900, s1;
	s1 =	sadd.s32 $0x124800, s2;
	s7 =	sadd.s32 s7, s5  }
0x14: {  	v0 =	vimm.f32 $0.0e+00;
	s25 =	sshrl.u32 @p0 s1, $0x3;
	s5 =	sadd.s32 $0x13E00, s7;
	s7 =	simm.s32 $0x50  }
.LBB2_1:
0x15: {  	s0 =	simm.s32 $0x80  }
0x16: {  	[tilespmem:s3], [sflag:$0x1] =	stream.strided.gather [hbm4b:s5+s0], $0x2780, s14, s0, $0x38;
	[tilespmem:$0x1F400] =	vst v63  }
0x17: {  	_ = 	snop  }
0x18: {  	[tilespmem:s15], [sflag:$0x2] =	stream.linear.gather [hbm4b:s6+s3], $0x3E80, $0x38;
	[tilespmem:$0x1F400] =	vst v63  }
0x19: {  	[tilespmem:$0xB780] =	vst v0  }
0x1a: {  	[tilespmem:$0xB790] =	vst v0  }
0x1b: {  	[tilespmem:$0xB7A0] =	vst v0  }
0x1c: {  	[tilespmem:$0xB7B0] =	vst v0  }
0x1d: {  	[tilespmem:$0xB7C0] =	vst v0  }
0x1e: {  	[tilespmem:$0xB7D0] =	vst v0  }
0x1f: {  	[tilespmem:$0xB7E0] =	vst v0  }
0x20: {  	[tilespmem:$0xB7F0] =	vst v0  }
0x21: {  	[tilespmem:$0xB800] =	vst v0  }
0x22: {  	[tilespmem:$0xB810] =	vst v0  }
0x23: {  	[tilespmem:$0xB820] =	vst v0  }
0x24: {  	[tilespmem:$0xB830] =	vst v0  }
0x25: {  	[tilespmem:$0xB840] =	vst v0  }
0x26: {  	[tilespmem:$0xB850] =	vst v0  }
0x27: {  	[tilespmem:$0xB860] =	vst v0  }
0x28: {  	[tilespmem:$0xB870] =	vst v0  }
0x29: {  	[tilespmem:$0xB880] =	vst v0  }
0x2a: {  	[tilespmem:$0xB890] =	vst v0  }
0x2b: {  	[tilespmem:$0xB8A0] =	vst v0  }
0x2c: {  	[tilespmem:$0xB8B0] =	vst v0  }
0x2d: {  	[tilespmem:$0xB8C0] =	vst v0  }
0x2e: {  	[tilespmem:$0xB8D0] =	vst v0  }
0x2f: {  	[tilespmem:$0xB8E0] =	vst v0  }
0x30: {  	[tilespmem:$0xB8F0] =	vst v0  }
0x31: {  	[tilespmem:$0xB900] =	vst v0  }
0x32: {  	[tilespmem:$0xB910] =	vst v0  }
0x33: {  	[tilespmem:$0xB920] =	vst v0  }
0x34: {  	[tilespmem:$0xB930] =	vst v0  }
0x35: {  	[tilespmem:$0xB940] =	vst v0  }
0x36: {  	[tilespmem:$0xB950] =	vst v0  }
0x37: {  	[tilespmem:$0xB960] =	vst v0  }
0x38: {  	[tilespmem:$0xB970] =	vst v0  }
0x39: {  	[tilespmem:$0xB980] =	vst v0  }
0x3a: {  	[tilespmem:$0xB990] =	vst v0  }
0x3b: {  	[tilespmem:$0xB9A0] =	vst v0  }
0x3c: {  	[tilespmem:$0xB9B0] =	vst v0  }
0x3d: {  	[tilespmem:$0xB9C0] =	vst v0  }
0x3e: {  	[tilespmem:$0xB9D0] =	vst v0  }
0x3f: {  	[tilespmem:$0xB9E0] =	vst v0  }
0x40: {  	[tilespmem:$0xB9F0] =	vst v0  }
0x41: {  	[tilespmem:$0xBA00] =	vst v0  }
0x42: {  	[tilespmem:$0xBA10] =	vst v0  }
0x43: {  	[tilespmem:$0xBA20] =	vst v0  }
0x44: {  	[tilespmem:$0xBA30] =	vst v0  }
0x45: {  	[tilespmem:$0xBA40] =	vst v0  }
0x46: {  	[tilespmem:$0xBA50] =	vst v0  }
0x47: {  	[tilespmem:$0xBA60] =	vst v0  }
0x48: {  	[tilespmem:$0xBA70] =	vst v0  }
0x49: {  	[tilespmem:$0xBA80] =	vst v0  }
0x4a: {  	[tilespmem:$0xBA90] =	vst v0  }
0x4b: {  	[tilespmem:$0xBAA0] =	vst v0  }
0x4c: {  	[tilespmem:$0xBAB0] =	vst v0  }
0x4d: {  	[tilespmem:$0xBAC0] =	vst v0  }
0x4e: {  	[tilespmem:$0xBAD0] =	vst v0  }
0x4f: {  	[tilespmem:$0xBAE0] =	vst v0  }
0x50: {  	[tilespmem:$0xBAF0] =	vst v0  }
0x51: {  	[tilespmem:$0xBB00] =	vst v0  }
0x52: {  	[tilespmem:$0xBB10] =	vst v0  }
0x53: {  	[tilespmem:$0xBB20] =	vst v0  }
0x54: {  	p1 =	sne.s32 s8, $0x1;
	[tilespmem:$0xBB30] =	vst v0  }
.Ltmp0:
0x55: {  	[tilespmem:$0xBB40] =	vst v0;
	(pc) =	sbr.rel @!p1 .LBB2_3-.Ltmp0, $4  }
0x56: {  	[tilespmem:$0xBB50] =	vst v0  }
0x57: {  	[tilespmem:$0xBB60] =	vst v0  }
0x58: {  	s1 =	sadd.s32 $0xFFFFFFFF, s8;
	s30 =	smov.u32 s9;
	[tilespmem:$0xBB70] =	vst v0  }
0x59: {  	[spmem:s9] =	stream.linear.scatter [tilespmem:s16], [sflag:$0x3], $0x400, $0x38;
	[tilespmem:$0x1F400] =	vst v63  }
.LBB2_2:
0x5a: {  	p2 =	sne.s32 s1, $0x1  }
.Ltmp1:
0x5b: {  	_ = 	snop;
	(pc) =	sbr.rel @p2 .LBB2_2-.Ltmp1, $3  }
0x5c: {  	_ = 	snop  }
0x5d: {  	s1 =	sadd.s32 $0xFFFFFFFF, s1;
	s30 =	sadd.s32 $0x400, s30;
	_ =	sdelay $0x1  }
0x5e: {  	[spmem:s30] =	stream.linear.scatter [tilespmem:s16], [sflag:$0x3], $0x400, $0x38;
	[tilespmem:$0x1F400] =	vst v63  }
.LBB2_3:
0x5f: {  	_ =	swait.ge [sflag:s17], $0x2780  }
0x60: {  	[sflag:s17] =	ssyncset.done $0x0  }
0x61: {  	[sflag:s17] =	ssyncadd.s32 $0xFFFFD880  }
0x62: {  	_ =	swait.ge [sflag:s18], $0x3E80  }
0x63: {  	[sflag:s18] =	ssyncset.done $0x0  }
0x64: {  	[sflag:s18] =	ssyncadd.s32 $0xFFFFC180  }
0x65: {  	[tilespmem:s19], [sflag:$0x1] =	stream.indirect.gather [hbm4b:s4+s7], $0x80, s3, s7, $0xb8;
	[tilespmem:$0x1F400] =	vst v63  }
.Ltmp2:
0x66: {  	_ = 	snop;
	(pc) =	sbr.rel @!p1 .LBB2_5-.Ltmp2, $4  }
0x67: {  	_ = 	snop  }
0x68: {  	[tilespmem:s20], [sflag:$0x2] =	stream.indirect.gather [hbm4b:s4+s7], $0x80, s7, s7, $0xb8;
	[tilespmem:$0x1F400] =	vst v63  }
0x69: {  	_ =	swait.ge [sflag:s21], $0x400  }
0x6a: {  	s1 =	sadd.s32 $0xFFFFFFFF, s8;
	[sflag:s21] =	ssyncset.done $0x0  }
.LBB2_4:
0x6b: {  	p1 =	sne.s32 s1, $0x1;
	s1 =	sadd.s32 $0xFFFFFFFF, s1;
	[sflag:s21] =	ssyncadd.s32 $0xFFFFFC00  }
.Ltmp3:
0x6c: {  	(pc) =	sbr.rel @p1 .LBB2_4-.Ltmp3, $3  }
0x6d: {  	_ =	sdelay $0x1  }
0x6e: {  	_ =	swait.ge [sflag:s21], $0x400  }
0x6f: {  	[sflag:s21] =	ssyncset.done $0x0  }
.LBB2_5:
0x70: {  	[sflag:s21] =	ssyncadd.s32 $0xFFFFFC00  }
0x71: {  	[bflag:$0x0] =	sbarrier.arrive $0xFFFF  }
0x72: {  	_ =	swait.ge [sflag:s17], $0x2800  }
0x73: {  	[sflag:s17] =	ssyncset.done $0x0  }
0x74: {  	s1 =	simm.s32 $0x2780;
	[sflag:s17] =	ssyncadd.s32 $0xFFFFD800  }
0x75: {  	[spmem:s2] =	stream.indirect.scatter.add.f32 [tilespmem:s19], [sflag:$0x4], $0x80, s1, s7, $0xb8;
	[tilespmem:$0x1F400] =	vst v63  }
0x76: {  	_ =	swait.ge [sflag:s22], $0x2800  }
0x77: {  	[sflag:s22] =	ssyncset.done $0x0  }
0x78: {  	s0 =	simm.s32 $0xA0;
	[sflag:s22] =	ssyncadd.s32 $0xFFFFD800  }
0x79: {  	[tilespmem:s19], [sflag:$0x1] =	stream.indirect.gather [hbm4b:s4+s7], $0x80, s0, s7, $0xb8;
	[tilespmem:$0x1F400] =	vst v63  }
0x7a: {  	_ =	swait.ge [sflag:s18], $0x2800  }
0x7b: {  	[sflag:s18] =	ssyncset.done $0x0  }
0x7c: {  	s13 =	simm.s32 $0x2800;
	[sflag:s18] =	ssyncadd.s32 $0xFFFFD800  }
0x7d: {  	[spmem:s2] =	stream.indirect.scatter.add.f32 [tilespmem:s20], [sflag:$0x4], $0x80, s13, s7, $0xb8;
	[tilespmem:$0x1F400] =	vst v63  }
0x7e: {  	_ =	swait.ge [sflag:s22], $0x2800  }
0x7f: {  	s30 =	simm.s32 $0xF0;
	[sflag:s22] =	ssyncset.done $0x0  }
0x80: {  	s31 =	simm.s32 $0x400;
	s1 =	simm.s32 $0x190;
	[sflag:s22] =	ssyncadd.s32 $0xFFFFD800  }
.LBB2_6:
0x81: {  	[tilespmem:s20], [sflag:$0x2] =	stream.indirect.gather [hbm4b:s4+s7], $0x80, s30, s7, $0xb8;
	[tilespmem:$0x1F400] =	vst v63  }
0x82: {  	s13 =	smov.u32 s31;
	s30 =	smov.u32 s1  }
0x83: {  	p1 =	sne.s32 s31, $0xF000;
	s31 =	sadd.s32 $0x400, s31;
	_ =	swait.ge [sflag:s17], $0x2800  }
0x84: {  	s13 =	sshra.s32 s13, $0x2;
	[sflag:s17] =	ssyncset.done $0x0  }
0x85: {  	s0 =	sadd.s32 $0x2780, s13;
	[sflag:s17] =	ssyncadd.s32 $0xFFFFD800  }
0x86: {  	[spmem:s2] =	stream.indirect.scatter.add.f32 [tilespmem:s19], [sflag:$0x4], $0x80, s0, s7, $0xb8;
	[tilespmem:$0x1F400] =	vst v63  }
0x87: {  	_ =	swait.ge [sflag:s22], $0x2800  }
0x88: {  	[sflag:s22] =	ssyncset.done $0x0  }
0x89: {  	s0 =	sadd.s32 $0xFFFFFFB0, s1;
	[sflag:s22] =	ssyncadd.s32 $0xFFFFD800  }
0x8a: {  	[tilespmem:s19], [sflag:$0x1] =	stream.indirect.gather [hbm4b:s4+s7], $0x80, s0, s7, $0xb8;
	[tilespmem:$0x1F400] =	vst v63  }
0x8b: {  	_ =	swait.ge [sflag:s18], $0x2800  }
0x8c: {  	[sflag:s18] =	ssyncset.done $0x0  }
.Ltmp4:
0x8d: {  	s0 =	sadd.s32 $0x2800, s13;
	[sflag:s18] =	ssyncadd.s32 $0xFFFFD800;
	(pc) =	sbr.rel @p1 .LBB2_6-.Ltmp4, $4  }
0x8e: {  	[spmem:s2] =	stream.indirect.scatter.add.f32 [tilespmem:s20], [sflag:$0x4], $0x80, s0, s7, $0xb8;
	[tilespmem:$0x1F400] =	vst v63  }
0x8f: {  	_ =	swait.ge [sflag:s22], $0x2800  }
0x90: {  	[sflag:s22] =	ssyncset.done $0x0  }
0x91: {  	s1 =	sadd.s32 $0xA0, s1;
	[sflag:s22] =	ssyncadd.s32 $0xFFFFD800  }
0x92: {  	[tilespmem:s20], [sflag:$0x2] =	stream.indirect.gather [hbm4b:s4+s7], $0x80, s30, s7, $0xb8;
	[tilespmem:$0x1F400] =	vst v63  }
0x93: {  	_ =	swait.ge [sflag:s17], $0x2800  }
0x94: {  	[sflag:s17] =	ssyncset.done $0x0  }
0x95: {  	[sflag:s17] =	ssyncadd.s32 $0xFFFFD800  }
0x96: {  	[spmem:s2] =	stream.indirect.scatter.add.f32 [tilespmem:s19], [sflag:$0x4], $0x80, s23, s7, $0xb8;
	[tilespmem:$0x1F400] =	vst v63  }
0x97: {  	_ =	swait.ge [sflag:s22], $0x2800  }
0x98: {  	[sflag:s22] =	ssyncset.done $0x0  }
0x99: {  	[sflag:s22] =	ssyncadd.s32 $0xFFFFD800  }
0x9a: {  	[tilespmem:s19], [sflag:$0x1] =	stream.indirect.gather [hbm4b:s4+s7], $0x80, s24, s7, $0xb8;
	[tilespmem:$0x1F400] =	vst v63  }
0x9b: {  	_ =	swait.ge [sflag:s18], $0x2800  }
0x9c: {  	[sflag:s18] =	ssyncset.done $0x0  }
0x9d: {  	[sflag:s18] =	ssyncadd.s32 $0xFFFFD800  }
0x9e: {  	[spmem:s2] =	stream.indirect.scatter.add.f32 [tilespmem:s20], [sflag:$0x4], $0x80, s26, s7, $0xb8;
	[tilespmem:$0x1F400] =	vst v63  }
0x9f: {  	_ =	swait.ge [sflag:s22], $0x2800  }
0xa0: {  	[sflag:s22] =	ssyncset.done $0x0  }
0xa1: {  	[sflag:s22] =	ssyncadd.s32 $0xFFFFD800  }
0xa2: {  	_ =	swait.ge [sflag:s17], $0x2800  }
0xa3: {  	[sflag:s17] =	ssyncset.done $0x0  }
0xa4: {  	[sflag:s17] =	ssyncadd.s32 $0xFFFFD800  }
0xa5: {  	[spmem:s2] =	stream.indirect.scatter.add.f32 [tilespmem:s19], [sflag:$0x4], $0x80, s28, s7, $0xb8;
	[tilespmem:$0x1F400] =	vst v63  }
0xa6: {  	_ =	swait.ge [sflag:s22], $0x2800  }
0xa7: {  	[sflag:s22] =	ssyncset.done $0x0  }
0xa8: {  	[sflag:s22] =	ssyncadd.s32 $0xFFFFD800  }
0xa9: {  	s0 =	simm.s32 @p0 $0x1FC4;
	[bflag:$0x0] =	sbarrier.arrive $0xFFFF  }
0xaa: {  	[hbm:s11], [sflag:s0] =	dma.local @p0 [spmem:s25], $0x2800  }
0xab: {  	s0 =	simm.s32 @p0 $0x4  }
0xac: {  	s1 =	stileid.u32;
	s29 =	sadd.s32 $0x1, s29;
	_ =	swait.ge @p0 [sflag:s0], $0x2800  }
0xad: {  	s1 =	sshll.u32 @!p0 s1, $0x6;
	p1 =	sne.s32 s29, s12;
	[sflag:s0] =	ssyncset.done @p0 $0x0  }
0xae: {  	[sflag:s0] =	ssyncadd.s32 @p0 $0xFFFFD800;
	s0 =	sor.u32 @!p0 $0x1C04, s1;
	s1 =	sshrl.u32 @!p0 s9, $0x3  }
0xaf: {  	[hbm:s10], [sflag:s0] =	dma.local @!p0 [spmem:s1], $0x2700  }
.Ltmp5:
0xb0: {  	_ = 	snop;
	(pc) =	sbr.rel @p1 .LBB2_1-.Ltmp5, $4  }
0xb1: {  	s0 =	simm.s32 @!p0 $0x4  }
0xb2: {  	_ =	swait.ge @!p0 [sflag:s0], $0x2700  }
0xb3: {  	[sflag:s0] =	ssyncset.done @!p0 $0x0  }
0xb4: {  	[sflag:s0] =	ssyncadd.s32 @!p0 $0xFFFFD900  }
0xb5: {  	_ =	sfence.sel $0x180000  }
0xb6: {  	[bflag:$0x0] =	sbarrier.arrive $0xFFFF  }
0xb7: {  	_ =	strace $0x9000004A  }
0xb8: {  	s0 =	stileid.u32;
	[bflag:$0x2] =	sbarrier.arrive $0xFFFF  }
0xb9: {  	p0 =	sne.s32 s0, $0x0;
	s0 =	rddreg [dreg:$0x2]  }
0xba: {  	s0 =	sadd.s32 @!p0 $0x100000, s0  }
0xbb: {  	[sflag:s0] =	ssyncadd.tile.s32 @!p0 $0x1;
	_ =	shalt  }
.Lfunc_end2:
_tile_overlayer_lowered:
.L_overlay_start_2:
0xbc: {  	(tag) =	ssettag $0x2  }
0xbd: {  	s0 =	rddreg [dreg:$0x0];
	s2 =	stileid.u32  }
0xbe: {  	s1 =	rddreg [dreg:$0x1];
	p0 =	sne.s32 s2, $0x0  }
0xbf: {  	s3 =	rddreg [dreg:$0x2];
	[bflag:$0x3] =	sbarrier.arrive $0xFFFF;
	s2 =	simm.s32 @!p0 $0x1C04  }
0xc0: {  	[timem:s3], [sflag:s2] =	dma.local @!p0 [hbm:s0], s1  }
0xc1: {  	s0 =	simm.s32 @!p0 $0x4  }
0xc2: {  	_ =	swait.ge @!p0 [sflag:s0], s1  }
0xc3: {  	s1 =	ssub.s32 @!p0 $0x0, s1;
	[sflag:s0] =	ssyncset.done @!p0 $0x0  }
0xc4: {  	[sflag:s0] =	ssyncadd.s32 @!p0 s1  }
0xc5: {  	[bflag:$0x3] =	sbarrier.arrive $0xFFFF  }
0xc6: {  	_ =	shalt  }

// kernel: kernel.14.cloned.1.call-start
scs
__scs_entry_jumppad:
0x0: {  	(pc) =	sbr.rel $0x88, $3  }
0x1: {  	(tag) =	ssettag $0x0;
	lr =	simm.s32 $0x1  }
0x2: {  	[smem:$0x3F92] =	sst lr;
	_ =	strace $0xD0000000  }
0x3: {  	_ = 	snop  }
0x4: {  	_ = 	snop  }
0x5: {  	_ = 	snop  }
0x6: {  	_ = 	snop  }
0x7: {  	_ = 	snop  }
__scs_overlays_trampoline_lowered:
0x8: {  	[smem:$0x3FA1] =	sst s0  }
0x9: {  	[smem:$0x3FA2] =	sst s1  }
0xa: {  	[smem:$0x3FA3] =	sst s2  }
0xb: {  	[smem:$0x3FA4] =	sst s3  }
0xc: {  	[smem:$0x3FA5] =	sst s4  }
0xd: {  	[smem:$0x3FA6] =	sst s5  }
0xe: {  	[smem:$0x3FA7] =	sst s6  }
0xf: {  	[smem:$0x3FA8] =	sst s7  }
0x10: {  	[smem:$0x3FA9] =	sst s8  }
0x11: {  	[smem:$0x3FAA] =	sst s9;
	s0 =	simm.s32 @!p0 $0x0  }
0x12: {  	s1 =	sld [smem:$0x3F90];
	s0 =	simm.s32 @p0 $0x1  }
0x13: {  	[smem:$0x3FAB] =	sst s0;
	s0 =	simm.s32 @!p1 $0x0  }
0x14: {  	s2 =	sld [smem:$0x3F8F];
	s0 =	simm.s32 @p1 $0x1  }
0x15: {  	[smem:$0x3FAC] =	sst s0;
	s0 =	simm.s32 @!p2 $0x0  }
0x16: {  	s3 =	sld [smem:$0x3FDB];
	s0 =	simm.s32 @p2 $0x1  }
0x17: {  	s4 =	simm.s32 $0x1BF5;
	[smem:$0x3FAE] =	sst s0  }
0x18: {  	s0 =	sld [smem:$0x3F91];
	_ =	swait.ge [sflag:s4], $0x0  }
0x19: {  	s7 =	sld [smem:$0x3F92]  }
0x1a: {  	s8 =	sadd.s32 $0xFFFFE003, lr  }
0x1b: {  	s9 =	sadd.s32 $0xFFFFFEF7, lr;
	s5 =	simm.s32 $0xFFFFFFFF;
	p2 =	slt.u32 s8, $0xFFFFF086  }
0x1c: {  	p1 =	slt.u32 s9, $0xF7A;
	s5 =	simm.s32 @!p2 $0x0  }
0x1d: {  	s5 =	simm.s32 @p1 $0x1;
	p0 =	seq.s32 s7, s2  }
0x1e: {  	s7 =	smul.u32 @!p0 $0xF7A, s2;
	p2 =	seq.s32 @!p0 s5, $0x0  }
0x1f: {  	s9 =	smul.u32 $0xF7A, s1;
	s8 =	simm.s32 @!p0 $0x1BF5;
	p2 =	por !p2, p0  }
0x20: {  	[sflag:s8] =	ssyncset.s32 @!p0 $0xFFFFF086;
	s6 =	sadd.s32 @!p0 s3, s7;
	s7 =	simm.s32 @!p0 $0x108  }
0x21: {  	s3 =	sadd.s32 s3, s9;
	s6 =	sadd.s32 @!p0 $0x88, s6;
	s7 =	simm.s32 @p2 $0x1082  }
0x22: {  	[simem:s7], [sflag:s8] =	dma.local @!p0 [hbm:s6], $0xF7A  }
0x23: {  	s9 =	sor.u32 $0xD0000000, s2;
	s6 =	simm.s32 $0x108;
	_ =	swait.ge @!p0 [sflag:s8], $0x0  }
0x24: {  	s3 =	sadd.s32 $0x88, s3;
	s6 =	simm.s32 @!p1 $0x1082;
	[sflag:s4] =	ssyncset.s32 $0xFFFFF086  }
0x25: {  	[simem:s6], [sflag:s4] =	dma.local [hbm:s3], $0xF7A  }
0x26: {  	[smem:$0x3F92] =	sst s1;
	(tag) =	ssettag s2;
	_ =	strace s9  }
0x27: {  	s1 =	sld [smem:$0x3FA2]  }
0x28: {  	s2 =	sld [smem:$0x3FA3]  }
0x29: {  	s4 =	sld [smem:$0x3FA5]  }
0x2a: {  	p0 =	seq.s32 s5, $0x0;
	s5 =	sld [smem:$0x3FA6]  }
0x2b: {  	s6 =	sld [smem:$0x3FA7]  }
0x2c: {  	s7 =	sld [smem:$0x3FA8]  }
0x2d: {  	s3 =	simm.s32 $0x108;
	s8 =	sld [smem:$0x3FA9]  }
0x2e: {  	s3 =	simm.s32 @!p0 $0x1082;
	s9 =	sld [smem:$0x3FAA]  }
0x2f: {  	lr =	sadd.s32 s0, s3;
	s0 =	sld [smem:$0x3FA1]  }
0x30: {  	s3 =	sld [smem:$0x3FA4]  }
0x31: {  	[smem:$0x3FAD] =	sst s10  }
0x32: {  	s10 =	sld [smem:$0x3FAB];
	_ =	sdelay $0x3  }
0x33: {  	p0 =	seq.s32 s10, $0x1;
	s10 =	sld [smem:$0x3FAD];
	_ =	sdelay $0x3  }
0x34: {  	[smem:$0x3FAD] =	sst s10  }
0x35: {  	s10 =	sld [smem:$0x3FAC];
	_ =	sdelay $0x3  }
0x36: {  	p1 =	seq.s32 s10, $0x1;
	s10 =	sld [smem:$0x3FAD];
	_ =	sdelay $0x3  }
0x37: {  	[smem:$0x3FAD] =	sst s10  }
0x38: {  	s10 =	sld [smem:$0x3FAE]  }
0x39: {  	_ = 	snop;
	(pc) =	sbr.ind lr, $3  }
0x3a: {  	_ = 	snop  }
0x3b: {  	_ = 	snop  }
0x3c: {  	p2 =	seq.s32 s10, $0x1;
	s10 =	sld [smem:$0x3FAD]  }
0x3d: {  	_ =	shalt  }
0x3e: {  	_ =	shalt  }
0x3f: {  	_ =	shalt  }
0x40: {  	_ =	shalt  }
0x41: {  	_ =	shalt  }
0x42: {  	_ =	shalt  }
0x43: {  	_ =	shalt  }
0x44: {  	_ =	shalt  }
0x45: {  	_ =	shalt  }
0x46: {  	_ =	shalt  }
0x47: {  	_ =	shalt  }
0x48: {  	_ =	shalt  }
0x49: {  	_ =	shalt  }
0x4a: {  	_ =	shalt  }
0x4b: {  	_ =	shalt  }
0x4c: {  	_ =	shalt  }
0x4d: {  	_ =	shalt  }
0x4e: {  	_ =	shalt  }
0x4f: {  	_ =	shalt  }
0x50: {  	_ =	shalt  }
0x51: {  	_ =	shalt  }
0x52: {  	_ =	shalt  }
0x53: {  	_ =	shalt  }
0x54: {  	_ =	shalt  }
0x55: {  	_ =	shalt  }
0x56: {  	_ =	shalt  }
0x57: {  	_ =	shalt  }
0x58: {  	_ =	shalt  }
0x59: {  	_ =	shalt  }
0x5a: {  	_ =	shalt  }
0x5b: {  	_ =	shalt  }
0x5c: {  	_ =	shalt  }
0x5d: {  	_ =	shalt  }
0x5e: {  	_ =	shalt  }
0x5f: {  	_ =	shalt  }
0x60: {  	_ =	shalt  }
0x61: {  	_ =	shalt  }
0x62: {  	_ =	shalt  }
0x63: {  	_ =	shalt  }
0x64: {  	_ =	shalt  }
0x65: {  	_ =	shalt  }
0x66: {  	_ =	shalt  }
0x67: {  	_ =	shalt  }
0x68: {  	_ =	shalt  }
0x69: {  	_ =	shalt  }
0x6a: {  	_ =	shalt  }
0x6b: {  	_ =	shalt  }
0x6c: {  	_ =	shalt  }
0x6d: {  	_ =	shalt  }
0x6e: {  	_ =	shalt  }
0x6f: {  	_ =	shalt  }
0x70: {  	_ =	shalt  }
0x71: {  	_ =	shalt  }
0x72: {  	_ =	shalt  }
0x73: {  	_ =	shalt  }
0x74: {  	_ =	shalt  }
0x75: {  	_ =	shalt  }
0x76: {  	_ =	shalt  }
0x77: {  	_ =	shalt  }
0x78: {  	_ =	shalt  }
0x79: {  	_ =	shalt  }
0x7a: {  	_ =	shalt  }
0x7b: {  	_ =	shalt  }
0x7c: {  	_ =	shalt  }
0x7d: {  	_ =	shalt  }
0x7e: {  	_ =	shalt  }
0x7f: {  	_ =	shalt  }
0x80: {  	_ =	shalt  }
0x81: {  	_ =	shalt  }
0x82: {  	_ =	shalt  }
0x83: {  	_ =	shalt  }
0x84: {  	_ =	shalt  }
0x85: {  	_ =	shalt  }
0x86: {  	_ =	shalt  }
0x87: {  	_ =	shalt  }
.Lfunc_end0:
.L_simem_size_0:
called_computation.2_lowered:
.L_overlay_start_0:
0x88: {  	s2 =	sld [smem:$0x3FD9]  }
0x89: {  	s3 =	sld [smem:$0x3FFE];
	_ =	sdelay $0x1  }
0x8a: {  	s1 =	srdreg.scid  }
0x8b: {  	s0 =	sand.u32 $0x1, s1  }
0x8c: {  	s16 =	sshll.u32 s0, $0xA;
	s2 =	sadd.s32 s3, s2  }
0x8d: {  	s2 =	sadd.s32 s2, s16  }
0x8e: {  	[smem:$0x3FB9] =	sst s2  }
0x8f: {  	_ = 	snop  }
0x90: {  	(tm) =	ssettm $0x1  }
0x91: {  	s17 =	sld [smem:$0x3FFB];
	_ =	sdelay $0x3  }
0x92: {  	_ =	strace s17  }
0x93: {  	s2 =	sld [smem:$0x3FFC];
	_ =	sdelay $0x3  }
0x94: {  	_ =	strace s2  }
0x95: {  	s2 =	sld [smem:$0x3FFD];
	_ =	sdelay $0x3  }
0x96: {  	_ =	strace s2  }
0x97: {  	_ =	strace $0x8FFFFFFF  }
0x98: {  	s18 =	sld [smem:$0x3FDB];
	_ =	sdelay $0x1  }
0x99: {  	s19 =	simm.s32 $_scs_section_size  }
0x9a: {  	s4 =	simm.s32 $_size__tile_overlayer_lowered;
	s5 =	simm.s32 $_tile_overlayer_lowered  }
0x9b: {  	s22 =	simm.s32 $0x1BFF;
	s21 =	sshll.u32 s5, $0x1;
	s2 =	sadd.s32 s19, s18  }
0x9c: {  	s6 =	simm.s32 $0x0;
	s20 =	sshll.u32 s4, $0x1;
	s4 =	sadd.s32 s21, s2  }
0x9d: {  	[timem:s6], [sflag:s22] =	dma.local [hbm:s4], s20  }
0x9e: {  	_ =	swait.ge [sflag:s22], s20  }
0x9f: {  	s3 =	ssub.s32 $0x0, s20;
	[sflag:s22] =	ssyncset.done $0x0  }
0xa0: {  	[sflag:s22] =	ssyncadd.s32 s3;
	_ =	sdelay $0x1  }
0xa1: {  	s23 =	simm.s32 $0x1B8B  }
0xa2: {  	_ =	swait.ge [sflag:s23], $0x1  }
0xa3: {  	[sflag:s23] =	ssyncset.done $0x0  }
0xa4: {  	s25 =	simm.s32 $0x1B8E;
	s24 =	sld [smem:$0x3FFE];
	[sflag:s23] =	ssyncadd.s32 $0xFFFFFFFF  }
0xa5: {  	s26 =	simm.s32 $execute0_lowered;
	[smem:$0x3FD2] =	sst s25  }
0xa6: {  	s4 =	sshll.u32 s26, $0x1;
	_ =	strace $0x8000004C;
	[dreg:$0x1] =	wrdreg $0xFFFFFFFF  }
0xa7: {  	s28 =	simm.s32 $_size_execute0_lowered;
	s2 =	sadd.s32 s2, s4;
	[dreg:$0x0] =	wrdreg $0x0  }
0xa8: {  	s4 =	sshll.u32 s28, $0x1;
	[dreg:$0x2] =	wrdreg s2  }
0xa9: {  	[dreg:$0x3] =	wrdreg s4  }
0xaa: {  	[dreg:$0x4] =	wrdreg $0xC0  }
0xab: {  	_ =	task [dreg:s6], $0x5FFFF  }
0xac: {  	[dreg:$0x1] =	wrdreg $0xFFFFFFFF  }
0xad: {  	[dreg:$0x0] =	wrdreg $0x60  }
0xae: {  	[dreg:$0x2] =	wrdreg s24  }
0xaf: {  	[dreg:$0x3] =	wrdreg $0xBB800  }
0xb0: {  	[dreg:$0x4] =	wrdreg $0x9  }
0xb1: {  	_ =	task.clear_ibuf [dreg:s6], $0x5FFFF;
	_ =	strace $0x9000004C  }
0xb2: {  	s29 =	simm.s32 $0x9;
	_ =	strace $0x8000004E  }
0xb3: {  	_ =	swait.ge [sflag:s29], $0x1  }
0xb4: {  	[sflag:s29] =	ssyncadd.s32 $0xFFFFFFFF  }
0xb5: {  	_ =	strace $0x9000004E  }
0xb6: {  	_ =	sfence  }
0xb7: {  	s30 =	sld [smem:$0x0];
	_ =	sdelay $0x2  }
0xb8: {  	s31 =	sshll.u32 s1, $0xD;
	s1 =	sshrl.u32 s1, $0x2  }
0xb9: {  	s3 =	sand.u32 $0x4000, s31;
	s1 =	sadd.s32 s1, s30  }
0xba: {  	s0 =	sor.u32 s3, s0;
	s1 =	sshll.u32 s1, $0x11  }
0xbb: {  	s0 =	sor.u32 s1, s0  }
0xbc: {  	s0 =	sadd.s32 $0x8F2B, s0  }
0xbd: {  	[sflag:s0] =	ssyncadd.remote.s32 $0x1  }
0xbe: {  	_ =	sfence.sel $0xFFFF  }
0xbf: {  	[dreg:$0x0] =	wrdreg $0xFFFFFFFF;
	(pc) =	sbr.abs _section_cstart, $3  }
0xc0: {  	[dreg:$0x1] =	wrdreg $0xFFFFFFFF  }
0xc1: {  	_ =	task.clear_ibuf [dreg:s6], $0x2FFFF;
	_ =	strace $0x9FFFFFFF  }
0xc2: {  	(tm) =	ssettm $0x7FFFFFFF  }
0xc3: {  	_ =	shalt  }
tec
execute0_lowered:
.L_overlay_start_1:
0x0: {  	(tag) =	ssettag $0x1  }
0x1: {  	s1 =	srdreg.scid  }
0x2: {  	s0 =	stileid.u32;
	s5 =	rddreg [dreg:$0x0];
	s14 =	simm.s32 $0x400  }
0x3: {  	s15 =	simm.s32 $0x2780;
	s16 =	simm.s32 $0xB780;
	s17 =	simm.s32 $0x1  }
0x4: {  	s18 =	simm.s32 $0x2;
	s19 =	simm.s32 $0x6780;
	s20 =	simm.s32 $0x8F80  }
0x5: {  	s21 =	simm.s32 $0x3;
	s22 =	simm.s32 $0x4;
	s23 =	simm.s32 $0x6480  }
0x6: {  	s24 =	simm.s32 $0x26C0;
	s26 =	simm.s32 $0x6500;
	s28 =	simm.s32 $0x6580  }
0x7: {  	s29 =	simm.s32 $0x0;
	s1 =	sand.u32 $0x1, s1;
	s2 =	sshll.u32 s0, $0x1  }
0x8: {  	s3 =	sshrl.u32 s0, $0x2;
	s10 =	sadd.s32 $0x44E00, s5;
	s9 =	smul.u32 $0x13800, s0  }
0x9: {  	p0 =	seq.s32 s0, $0xF;
	s11 =	smul.u32 $0x4E000, s0;
	s6 =	sor.u32 s1, s2  }
0xa: {  	s2 =	rddreg [dreg:$0x1];
	s4 =	smul.u32 $0x13C00, s3;
	s3 =	simm.s32 $0x0  }
0xb: {  	s8 =	ssub.s32 $0x2, s1;
	s1 =	smul.u32 $0x138800, s1;
	s7 =	sshll.u32 s6, $0x7  }
0xc: {  	[smem:$0x7FF] =	sst s3;
	s6 =	sshll.u32 s6, $0xB;
	s31 =	sshrl.u32 s8, $0x1  }
0xd: {  	s11 =	sshrl.u32 s11, $0x2;
	s7 =	sand.u32 $0x380, s7;
	_ =	strace $0x8000004D  }
0xe: {  	s6 =	sadd.s32 s6, s5;
	s12 =	ssub.s32 s8, s31;
	s8 =	simm.s32 $0x50  }
0xf: {  	s9 =	sadd.s32 s9, s1;
	s1 =	sshrl.u32 s1, $0x3;
	s7 =	sor.u32 s4, s7  }
0x10: {  	s4 =	sadd.s32 $0x1DC00, s5;
	s6 =	sadd.s32 $0x3E00, s6;
	s8 =	simm.s32 @!p0 $0x4E  }
0x11: {  	s13 =	sshrl.u32 s9, $0x3;
	s1 =	sadd.s32 s10, s1;
	s9 =	sadd.s32 s11, s2  }
0x12: {  	s12 =	smax.u32 s12, $0x1;
	s7 =	sshrl.u32 s7, $0x3;
	s10 =	sadd.s32 s10, s13  }
0x13: {  	s11 =	sadd.s32 $0x24900, s1;
	s1 =	sadd.s32 $0x124800, s2;
	s7 =	sadd.s32 s7, s5  }
0x14: {  	v0 =	vimm.f32 $0.0e+00;
	s25 =	sshrl.u32 @p0 s1, $0x3;
	s5 =	sadd.s32 $0x13E00, s7;
	s7 =	simm.s32 $0x50  }
.LBB2_1:
0x15: {  	s0 =	simm.s32 $0x80  }
0x16: {  	[tilespmem:s3], [sflag:$0x1] =	stream.strided.gather [hbm4b:s5+s0], $0x2780, s14, s0, $0x38;
	[tilespmem:$0x1F400] =	vst v63  }
0x17: {  	_ = 	snop  }
0x18: {  	[tilespmem:s15], [sflag:$0x2] =	stream.linear.gather [hbm4b:s6+s3], $0x3E80, $0x38;
	[tilespmem:$0x1F400] =	vst v63  }
0x19: {  	[tilespmem:$0xB780] =	vst v0  }
0x1a: {  	[tilespmem:$0xB790] =	vst v0  }
0x1b: {  	[tilespmem:$0xB7A0] =	vst v0  }
0x1c: {  	[tilespmem:$0xB7B0] =	vst v0  }
0x1d: {  	[tilespmem:$0xB7C0] =	vst v0  }
0x1e: {  	[tilespmem:$0xB7D0] =	vst v0  }
0x1f: {  	[tilespmem:$0xB7E0] =	vst v0  }
0x20: {  	[tilespmem:$0xB7F0] =	vst v0  }
0x21: {  	[tilespmem:$0xB800] =	vst v0  }
0x22: {  	[tilespmem:$0xB810] =	vst v0  }
0x23: {  	[tilespmem:$0xB820] =	vst v0  }
0x24: {  	[tilespmem:$0xB830] =	vst v0  }
0x25: {  	[tilespmem:$0xB840] =	vst v0  }
0x26: {  	[tilespmem:$0xB850] =	vst v0  }
0x27: {  	[tilespmem:$0xB860] =	vst v0  }
0x28: {  	[tilespmem:$0xB870] =	vst v0  }
0x29: {  	[tilespmem:$0xB880] =	vst v0  }
0x2a: {  	[tilespmem:$0xB890] =	vst v0  }
0x2b: {  	[tilespmem:$0xB8A0] =	vst v0  }
0x2c: {  	[tilespmem:$0xB8B0] =	vst v0  }
0x2d: {  	[tilespmem:$0xB8C0] =	vst v0  }
0x2e: {  	[tilespmem:$0xB8D0] =	vst v0  }
0x2f: {  	[tilespmem:$0xB8E0] =	vst v0  }
0x30: {  	[tilespmem:$0xB8F0] =	vst v0  }
0x31: {  	[tilespmem:$0xB900] =	vst v0  }
0x32: {  	[tilespmem:$0xB910] =	vst v0  }
0x33: {  	[tilespmem:$0xB920] =	vst v0  }
0x34: {  	[tilespmem:$0xB930] =	vst v0  }
0x35: {  	[tilespmem:$0xB940] =	vst v0  }
0x36: {  	[tilespmem:$0xB950] =	vst v0  }
0x37: {  	[tilespmem:$0xB960] =	vst v0  }
0x38: {  	[tilespmem:$0xB970] =	vst v0  }
0x39: {  	[tilespmem:$0xB980] =	vst v0  }
0x3a: {  	[tilespmem:$0xB990] =	vst v0  }
0x3b: {  	[tilespmem:$0xB9A0] =	vst v0  }
0x3c: {  	[tilespmem:$0xB9B0] =	vst v0  }
0x3d: {  	[tilespmem:$0xB9C0] =	vst v0  }
0x3e: {  	[tilespmem:$0xB9D0] =	vst v0  }
0x3f: {  	[tilespmem:$0xB9E0] =	vst v0  }
0x40: {  	[tilespmem:$0xB9F0] =	vst v0  }
0x41: {  	[tilespmem:$0xBA00] =	vst v0  }
0x42: {  	[tilespmem:$0xBA10] =	vst v0  }
0x43: {  	[tilespmem:$0xBA20] =	vst v0  }
0x44: {  	[tilespmem:$0xBA30] =	vst v0  }
0x45: {  	[tilespmem:$0xBA40] =	vst v0  }
0x46: {  	[tilespmem:$0xBA50] =	vst v0  }
0x47: {  	[tilespmem:$0xBA60] =	vst v0  }
0x48: {  	[tilespmem:$0xBA70] =	vst v0  }
0x49: {  	[tilespmem:$0xBA80] =	vst v0  }
0x4a: {  	[tilespmem:$0xBA90] =	vst v0  }
0x4b: {  	[tilespmem:$0xBAA0] =	vst v0  }
0x4c: {  	[tilespmem:$0xBAB0] =	vst v0  }
0x4d: {  	[tilespmem:$0xBAC0] =	vst v0  }
0x4e: {  	[tilespmem:$0xBAD0] =	vst v0  }
0x4f: {  	[tilespmem:$0xBAE0] =	vst v0  }
0x50: {  	[tilespmem:$0xBAF0] =	vst v0  }
0x51: {  	[tilespmem:$0xBB00] =	vst v0  }
0x52: {  	[tilespmem:$0xBB10] =	vst v0  }
0x53: {  	[tilespmem:$0xBB20] =	vst v0  }
0x54: {  	p1 =	sne.s32 s8, $0x1;
	[tilespmem:$0xBB30] =	vst v0  }
.Ltmp0:
0x55: {  	[tilespmem:$0xBB40] =	vst v0;
	(pc) =	sbr.rel @!p1 .LBB2_3-.Ltmp0, $4  }
0x56: {  	[tilespmem:$0xBB50] =	vst v0  }
0x57: {  	[tilespmem:$0xBB60] =	vst v0  }
0x58: {  	s1 =	sadd.s32 $0xFFFFFFFF, s8;
	s30 =	smov.u32 s9;
	[tilespmem:$0xBB70] =	vst v0  }
0x59: {  	[spmem:s9] =	stream.linear.scatter [tilespmem:s16], [sflag:$0x3], $0x400, $0x38;
	[tilespmem:$0x1F400] =	vst v63  }
.LBB2_2:
0x5a: {  	p2 =	sne.s32 s1, $0x1  }
.Ltmp1:
0x5b: {  	_ = 	snop;
	(pc) =	sbr.rel @p2 .LBB2_2-.Ltmp1, $3  }
0x5c: {  	_ = 	snop  }
0x5d: {  	s1 =	sadd.s32 $0xFFFFFFFF, s1;
	s30 =	sadd.s32 $0x400, s30;
	_ =	sdelay $0x1  }
0x5e: {  	[spmem:s30] =	stream.linear.scatter [tilespmem:s16], [sflag:$0x3], $0x400, $0x38;
	[tilespmem:$0x1F400] =	vst v63  }
.LBB2_3:
0x5f: {  	_ =	swait.ge [sflag:s17], $0x2780  }
0x60: {  	[sflag:s17] =	ssyncset.done $0x0  }
0x61: {  	[sflag:s17] =	ssyncadd.s32 $0xFFFFD880  }
0x62: {  	_ =	swait.ge [sflag:s18], $0x3E80  }
0x63: {  	[sflag:s18] =	ssyncset.done $0x0  }
0x64: {  	[sflag:s18] =	ssyncadd.s32 $0xFFFFC180  }
0x65: {  	[tilespmem:s19], [sflag:$0x1] =	stream.indirect.gather [hbm4b:s4+s7], $0x80, s3, s7, $0xb8;
	[tilespmem:$0x1F400] =	vst v63  }
.Ltmp2:
0x66: {  	_ = 	snop;
	(pc) =	sbr.rel @!p1 .LBB2_5-.Ltmp2, $4  }
0x67: {  	_ = 	snop  }
0x68: {  	[tilespmem:s20], [sflag:$0x2] =	stream.indirect.gather [hbm4b:s4+s7], $0x80, s7, s7, $0xb8;
	[tilespmem:$0x1F400] =	vst v63  }
0x69: {  	_ =	swait.ge [sflag:s21], $0x400  }
0x6a: {  	s1 =	sadd.s32 $0xFFFFFFFF, s8;
	[sflag:s21] =	ssyncset.done $0x0  }
.LBB2_4:
0x6b: {  	p1 =	sne.s32 s1, $0x1;
	s1 =	sadd.s32 $0xFFFFFFFF, s1;
	[sflag:s21] =	ssyncadd.s32 $0xFFFFFC00  }
.Ltmp3:
0x6c: {  	(pc) =	sbr.rel @p1 .LBB2_4-.Ltmp3, $3  }
0x6d: {  	_ =	sdelay $0x1  }
0x6e: {  	_ =	swait.ge [sflag:s21], $0x400  }
0x6f: {  	[sflag:s21] =	ssyncset.done $0x0  }
.LBB2_5:
0x70: {  	[sflag:s21] =	ssyncadd.s32 $0xFFFFFC00  }
0x71: {  	[bflag:$0x0] =	sbarrier.arrive $0xFFFF  }
0x72: {  	_ =	swait.ge [sflag:s17], $0x2800  }
0x73: {  	[sflag:s17] =	ssyncset.done $0x0  }
0x74: {  	s1 =	simm.s32 $0x2780;
	[sflag:s17] =	ssyncadd.s32 $0xFFFFD800  }
0x75: {  	[spmem:s2] =	stream.indirect.scatter.add.f32 [tilespmem:s19], [sflag:$0x4], $0x80, s1, s7, $0xb8;
	[tilespmem:$0x1F400] =	vst v63  }
0x76: {  	_ =	swait.ge [sflag:s22], $0x2800  }
0x77: {  	[sflag:s22] =	ssyncset.done $0x0  }
0x78: {  	s0 =	simm.s32 $0xA0;
	[sflag:s22] =	ssyncadd.s32 $0xFFFFD800  }
0x79: {  	[tilespmem:s19], [sflag:$0x1] =	stream.indirect.gather [hbm4b:s4+s7], $0x80, s0, s7, $0xb8;
	[tilespmem:$0x1F400] =	vst v63  }
0x7a: {  	_ =	swait.ge [sflag:s18], $0x2800  }
0x7b: {  	[sflag:s18] =	ssyncset.done $0x0  }
0x7c: {  	s13 =	simm.s32 $0x2800;
	[sflag:s18] =	ssyncadd.s32 $0xFFFFD800  }
0x7d: {  	[spmem:s2] =	stream.indirect.scatter.add.f32 [tilespmem:s20], [sflag:$0x4], $0x80, s13, s7, $0xb8;
	[tilespmem:$0x1F400] =	vst v63  }
0x7e: {  	_ =	swait.ge [sflag:s22], $0x2800  }
0x7f: {  	s30 =	simm.s32 $0xF0;
	[sflag:s22] =	ssyncset.done $0x0  }
0x80: {  	s31 =	simm.s32 $0x400;
	s1 =	simm.s32 $0x190;
	[sflag:s22] =	ssyncadd.s32 $0xFFFFD800  }
.LBB2_6:
0x81: {  	[tilespmem:s20], [sflag:$0x2] =	stream.indirect.gather [hbm4b:s4+s7], $0x80, s30, s7, $0xb8;
	[tilespmem:$0x1F400] =	vst v63  }
0x82: {  	s13 =	smov.u32 s31;
	s30 =	smov.u32 s1  }
0x83: {  	p1 =	sne.s32 s31, $0xF000;
	s31 =	sadd.s32 $0x400, s31;
	_ =	swait.ge [sflag:s17], $0x2800  }
0x84: {  	s13 =	sshra.s32 s13, $0x2;
	[sflag:s17] =	ssyncset.done $0x0  }
0x85: {  	s0 =	sadd.s32 $0x2780, s13;
	[sflag:s17] =	ssyncadd.s32 $0xFFFFD800  }
0x86: {  	[spmem:s2] =	stream.indirect.scatter.add.f32 [tilespmem:s19], [sflag:$0x4], $0x80, s0, s7, $0xb8;
	[tilespmem:$0x1F400] =	vst v63  }
0x87: {  	_ =	swait.ge [sflag:s22], $0x2800  }
0x88: {  	[sflag:s22] =	ssyncset.done $0x0  }
0x89: {  	s0 =	sadd.s32 $0xFFFFFFB0, s1;
	[sflag:s22] =	ssyncadd.s32 $0xFFFFD800  }
0x8a: {  	[tilespmem:s19], [sflag:$0x1] =	stream.indirect.gather [hbm4b:s4+s7], $0x80, s0, s7, $0xb8;
	[tilespmem:$0x1F400] =	vst v63  }
0x8b: {  	_ =	swait.ge [sflag:s18], $0x2800  }
0x8c: {  	[sflag:s18] =	ssyncset.done $0x0  }
.Ltmp4:
0x8d: {  	s0 =	sadd.s32 $0x2800, s13;
	[sflag:s18] =	ssyncadd.s32 $0xFFFFD800;
	(pc) =	sbr.rel @p1 .LBB2_6-.Ltmp4, $4  }
0x8e: {  	[spmem:s2] =	stream.indirect.scatter.add.f32 [tilespmem:s20], [sflag:$0x4], $0x80, s0, s7, $0xb8;
	[tilespmem:$0x1F400] =	vst v63  }
0x8f: {  	_ =	swait.ge [sflag:s22], $0x2800  }
0x90: {  	[sflag:s22] =	ssyncset.done $0x0  }
0x91: {  	s1 =	sadd.s32 $0xA0, s1;
	[sflag:s22] =	ssyncadd.s32 $0xFFFFD800  }
0x92: {  	[tilespmem:s20], [sflag:$0x2] =	stream.indirect.gather [hbm4b:s4+s7], $0x80, s30, s7, $0xb8;
	[tilespmem:$0x1F400] =	vst v63  }
0x93: {  	_ =	swait.ge [sflag:s17], $0x2800  }
0x94: {  	[sflag:s17] =	ssyncset.done $0x0  }
0x95: {  	[sflag:s17] =	ssyncadd.s32 $0xFFFFD800  }
0x96: {  	[spmem:s2] =	stream.indirect.scatter.add.f32 [tilespmem:s19], [sflag:$0x4], $0x80, s23, s7, $0xb8;
	[tilespmem:$0x1F400] =	vst v63  }
0x97: {  	_ =	swait.ge [sflag:s22], $0x2800  }
0x98: {  	[sflag:s22] =	ssyncset.done $0x0  }
0x99: {  	[sflag:s22] =	ssyncadd.s32 $0xFFFFD800  }
0x9a: {  	[tilespmem:s19], [sflag:$0x1] =	stream.indirect.gather [hbm4b:s4+s7], $0x80, s24, s7, $0xb8;
	[tilespmem:$0x1F400] =	vst v63  }
0x9b: {  	_ =	swait.ge [sflag:s18], $0x2800  }
0x9c: {  	[sflag:s18] =	ssyncset.done $0x0  }
0x9d: {  	[sflag:s18] =	ssyncadd.s32 $0xFFFFD800  }
0x9e: {  	[spmem:s2] =	stream.indirect.scatter.add.f32 [tilespmem:s20], [sflag:$0x4], $0x80, s26, s7, $0xb8;
	[tilespmem:$0x1F400] =	vst v63  }
0x9f: {  	_ =	swait.ge [sflag:s22], $0x2800  }
0xa0: {  	[sflag:s22] =	ssyncset.done $0x0  }
0xa1: {  	[sflag:s22] =	ssyncadd.s32 $0xFFFFD800  }
0xa2: {  	_ =	swait.ge [sflag:s17], $0x2800  }
0xa3: {  	[sflag:s17] =	ssyncset.done $0x0  }
0xa4: {  	[sflag:s17] =	ssyncadd.s32 $0xFFFFD800  }
0xa5: {  	[spmem:s2] =	stream.indirect.scatter.add.f32 [tilespmem:s19], [sflag:$0x4], $0x80, s28, s7, $0xb8;
	[tilespmem:$0x1F400] =	vst v63  }
0xa6: {  	_ =	swait.ge [sflag:s22], $0x2800  }
0xa7: {  	[sflag:s22] =	ssyncset.done $0x0  }
0xa8: {  	[sflag:s22] =	ssyncadd.s32 $0xFFFFD800  }
0xa9: {  	s0 =	simm.s32 @p0 $0x1FC4;
	[bflag:$0x0] =	sbarrier.arrive $0xFFFF  }
0xaa: {  	[hbm:s11], [sflag:s0] =	dma.local @p0 [spmem:s25], $0x2800  }
0xab: {  	s0 =	simm.s32 @p0 $0x4  }
0xac: {  	s1 =	stileid.u32;
	s29 =	sadd.s32 $0x1, s29;
	_ =	swait.ge @p0 [sflag:s0], $0x2800  }
0xad: {  	s1 =	sshll.u32 @!p0 s1, $0x6;
	p1 =	sne.s32 s29, s12;
	[sflag:s0] =	ssyncset.done @p0 $0x0  }
0xae: {  	[sflag:s0] =	ssyncadd.s32 @p0 $0xFFFFD800;
	s0 =	sor.u32 @!p0 $0x1C04, s1;
	s1 =	sshrl.u32 @!p0 s9, $0x3  }
0xaf: {  	[hbm:s10], [sflag:s0] =	dma.local @!p0 [spmem:s1], $0x2700  }
.Ltmp5:
0xb0: {  	_ = 	snop;
	(pc) =	sbr.rel @p1 .LBB2_1-.Ltmp5, $4  }
0xb1: {  	s0 =	simm.s32 @!p0 $0x4  }
0xb2: {  	_ =	swait.ge @!p0 [sflag:s0], $0x2700  }
0xb3: {  	[sflag:s0] =	ssyncset.done @!p0 $0x0  }
0xb4: {  	[sflag:s0] =	ssyncadd.s32 @!p0 $0xFFFFD900  }
0xb5: {  	_ =	sfence.sel $0x180000  }
0xb6: {  	[bflag:$0x0] =	sbarrier.arrive $0xFFFF  }
0xb7: {  	_ =	strace $0x9000004D  }
0xb8: {  	s0 =	stileid.u32;
	[bflag:$0x2] =	sbarrier.arrive $0xFFFF  }
0xb9: {  	p0 =	sne.s32 s0, $0x0;
	s0 =	rddreg [dreg:$0x2]  }
0xba: {  	s0 =	sadd.s32 @!p0 $0x100000, s0  }
0xbb: {  	[sflag:s0] =	ssyncadd.tile.s32 @!p0 $0x1;
	_ =	shalt  }
.Lfunc_end2:
_tile_overlayer_lowered:
.L_overlay_start_2:
0xbc: {  	(tag) =	ssettag $0x2  }
0xbd: {  	s0 =	rddreg [dreg:$0x0];
	s2 =	stileid.u32  }
0xbe: {  	s1 =	rddreg [dreg:$0x1];
	p0 =	sne.s32 s2, $0x0  }
0xbf: {  	s3 =	rddreg [dreg:$0x2];
	[bflag:$0x3] =	sbarrier.arrive $0xFFFF;
	s2 =	simm.s32 @!p0 $0x1C04  }
0xc0: {  	[timem:s3], [sflag:s2] =	dma.local @!p0 [hbm:s0], s1  }
0xc1: {  	s0 =	simm.s32 @!p0 $0x4  }
0xc2: {  	_ =	swait.ge @!p0 [sflag:s0], s1  }
0xc3: {  	s1 =	ssub.s32 @!p0 $0x0, s1;
	[sflag:s0] =	ssyncset.done @!p0 $0x0  }
0xc4: {  	[sflag:s0] =	ssyncadd.s32 @!p0 s1  }
0xc5: {  	[bflag:$0x3] =	sbarrier.arrive $0xFFFF  }
0xc6: {  	_ =	shalt  }

// kernel: kernel.8.cloned.1.call-start
scs
__scs_entry_jumppad:
0x0: {  	(pc) =	sbr.rel $0x88, $3  }
0x1: {  	(tag) =	ssettag $0x0;
	lr =	simm.s32 $0x1  }
0x2: {  	[smem:$0x3F92] =	sst lr;
	_ =	strace $0xD0000000  }
0x3: {  	_ = 	snop  }
0x4: {  	_ = 	snop  }
0x5: {  	_ = 	snop  }
0x6: {  	_ = 	snop  }
0x7: {  	_ = 	snop  }
__scs_overlays_trampoline_lowered:
0x8: {  	[smem:$0x3FA1] =	sst s0  }
0x9: {  	[smem:$0x3FA2] =	sst s1  }
0xa: {  	[smem:$0x3FA3] =	sst s2  }
0xb: {  	[smem:$0x3FA4] =	sst s3  }
0xc: {  	[smem:$0x3FA5] =	sst s4  }
0xd: {  	[smem:$0x3FA6] =	sst s5  }
0xe: {  	[smem:$0x3FA7] =	sst s6  }
0xf: {  	[smem:$0x3FA8] =	sst s7  }
0x10: {  	[smem:$0x3FA9] =	sst s8  }
0x11: {  	[smem:$0x3FAA] =	sst s9;
	s0 =	simm.s32 @!p0 $0x0  }
0x12: {  	s1 =	sld [smem:$0x3F90];
	s0 =	simm.s32 @p0 $0x1  }
0x13: {  	[smem:$0x3FAB] =	sst s0;
	s0 =	simm.s32 @!p1 $0x0  }
0x14: {  	s2 =	sld [smem:$0x3F8F];
	s0 =	simm.s32 @p1 $0x1  }
0x15: {  	[smem:$0x3FAC] =	sst s0;
	s0 =	simm.s32 @!p2 $0x0  }
0x16: {  	s3 =	sld [smem:$0x3FDB];
	s0 =	simm.s32 @p2 $0x1  }
0x17: {  	s4 =	simm.s32 $0x1BF5;
	[smem:$0x3FAE] =	sst s0  }
0x18: {  	s0 =	sld [smem:$0x3F91];
	_ =	swait.ge [sflag:s4], $0x0  }
0x19: {  	s7 =	sld [smem:$0x3F92]  }
0x1a: {  	s8 =	sadd.s32 $0xFFFFE003, lr  }
0x1b: {  	s9 =	sadd.s32 $0xFFFFFEF7, lr;
	s5 =	simm.s32 $0xFFFFFFFF;
	p2 =	slt.u32 s8, $0xFFFFF086  }
0x1c: {  	p1 =	slt.u32 s9, $0xF7A;
	s5 =	simm.s32 @!p2 $0x0  }
0x1d: {  	s5 =	simm.s32 @p1 $0x1;
	p0 =	seq.s32 s7, s2  }
0x1e: {  	s7 =	smul.u32 @!p0 $0xF7A, s2;
	p2 =	seq.s32 @!p0 s5, $0x0  }
0x1f: {  	s9 =	smul.u32 $0xF7A, s1;
	s8 =	simm.s32 @!p0 $0x1BF5;
	p2 =	por !p2, p0  }
0x20: {  	[sflag:s8] =	ssyncset.s32 @!p0 $0xFFFFF086;
	s6 =	sadd.s32 @!p0 s3, s7;
	s7 =	simm.s32 @!p0 $0x108  }
0x21: {  	s3 =	sadd.s32 s3, s9;
	s6 =	sadd.s32 @!p0 $0x88, s6;
	s7 =	simm.s32 @p2 $0x1082  }
0x22: {  	[simem:s7], [sflag:s8] =	dma.local @!p0 [hbm:s6], $0xF7A  }
0x23: {  	s9 =	sor.u32 $0xD0000000, s2;
	s6 =	simm.s32 $0x108;
	_ =	swait.ge @!p0 [sflag:s8], $0x0  }
0x24: {  	s3 =	sadd.s32 $0x88, s3;
	s6 =	simm.s32 @!p1 $0x1082;
	[sflag:s4] =	ssyncset.s32 $0xFFFFF086  }
0x25: {  	[simem:s6], [sflag:s4] =	dma.local [hbm:s3], $0xF7A  }
0x26: {  	[smem:$0x3F92] =	sst s1;
	(tag) =	ssettag s2;
	_ =	strace s9  }
0x27: {  	s1 =	sld [smem:$0x3FA2]  }
0x28: {  	s2 =	sld [smem:$0x3FA3]  }
0x29: {  	s4 =	sld [smem:$0x3FA5]  }
0x2a: {  	p0 =	seq.s32 s5, $0x0;
	s5 =	sld [smem:$0x3FA6]  }
0x2b: {  	s6 =	sld [smem:$0x3FA7]  }
0x2c: {  	s7 =	sld [smem:$0x3FA8]  }
0x2d: {  	s3 =	simm.s32 $0x108;
	s8 =	sld [smem:$0x3FA9]  }
0x2e: {  	s3 =	simm.s32 @!p0 $0x1082;
	s9 =	sld [smem:$0x3FAA]  }
0x2f: {  	lr =	sadd.s32 s0, s3;
	s0 =	sld [smem:$0x3FA1]  }
0x30: {  	s3 =	sld [smem:$0x3FA4]  }
0x31: {  	[smem:$0x3FAD] =	sst s10  }
0x32: {  	s10 =	sld [smem:$0x3FAB];
	_ =	sdelay $0x3  }
0x33: {  	p0 =	seq.s32 s10, $0x1;
	s10 =	sld [smem:$0x3FAD];
	_ =	sdelay $0x3  }
0x34: {  	[smem:$0x3FAD] =	sst s10  }
0x35: {  	s10 =	sld [smem:$0x3FAC];
	_ =	sdelay $0x3  }
0x36: {  	p1 =	seq.s32 s10, $0x1;
	s10 =	sld [smem:$0x3FAD];
	_ =	sdelay $0x3  }
0x37: {  	[smem:$0x3FAD] =	sst s10  }
0x38: {  	s10 =	sld [smem:$0x3FAE]  }
0x39: {  	_ = 	snop;
	(pc) =	sbr.ind lr, $3  }
0x3a: {  	_ = 	snop  }
0x3b: {  	_ = 	snop  }
0x3c: {  	p2 =	seq.s32 s10, $0x1;
	s10 =	sld [smem:$0x3FAD]  }
0x3d: {  	_ =	shalt  }
0x3e: {  	_ =	shalt  }
0x3f: {  	_ =	shalt  }
0x40: {  	_ =	shalt  }
0x41: {  	_ =	shalt  }
0x42: {  	_ =	shalt  }
0x43: {  	_ =	shalt  }
0x44: {  	_ =	shalt  }
0x45: {  	_ =	shalt  }
0x46: {  	_ =	shalt  }
0x47: {  	_ =	shalt  }
0x48: {  	_ =	shalt  }
0x49: {  	_ =	shalt  }
0x4a: {  	_ =	shalt  }
0x4b: {  	_ =	shalt  }
0x4c: {  	_ =	shalt  }
0x4d: {  	_ =	shalt  }
0x4e: {  	_ =	shalt  }
0x4f: {  	_ =	shalt  }
0x50: {  	_ =	shalt  }
0x51: {  	_ =	shalt  }
0x52: {  	_ =	shalt  }
0x53: {  	_ =	shalt  }
0x54: {  	_ =	shalt  }
0x55: {  	_ =	shalt  }
0x56: {  	_ =	shalt  }
0x57: {  	_ =	shalt  }
0x58: {  	_ =	shalt  }
0x59: {  	_ =	shalt  }
0x5a: {  	_ =	shalt  }
0x5b: {  	_ =	shalt  }
0x5c: {  	_ =	shalt  }
0x5d: {  	_ =	shalt  }
0x5e: {  	_ =	shalt  }
0x5f: {  	_ =	shalt  }
0x60: {  	_ =	shalt  }
0x61: {  	_ =	shalt  }
0x62: {  	_ =	shalt  }
0x63: {  	_ =	shalt  }
0x64: {  	_ =	shalt  }
0x65: {  	_ =	shalt  }
0x66: {  	_ =	shalt  }
0x67: {  	_ =	shalt  }
0x68: {  	_ =	shalt  }
0x69: {  	_ =	shalt  }
0x6a: {  	_ =	shalt  }
0x6b: {  	_ =	shalt  }
0x6c: {  	_ =	shalt  }
0x6d: {  	_ =	shalt  }
0x6e: {  	_ =	shalt  }
0x6f: {  	_ =	shalt  }
0x70: {  	_ =	shalt  }
0x71: {  	_ =	shalt  }
0x72: {  	_ =	shalt  }
0x73: {  	_ =	shalt  }
0x74: {  	_ =	shalt  }
0x75: {  	_ =	shalt  }
0x76: {  	_ =	shalt  }
0x77: {  	_ =	shalt  }
0x78: {  	_ =	shalt  }
0x79: {  	_ =	shalt  }
0x7a: {  	_ =	shalt  }
0x7b: {  	_ =	shalt  }
0x7c: {  	_ =	shalt  }
0x7d: {  	_ =	shalt  }
0x7e: {  	_ =	shalt  }
0x7f: {  	_ =	shalt  }
0x80: {  	_ =	shalt  }
0x81: {  	_ =	shalt  }
0x82: {  	_ =	shalt  }
0x83: {  	_ =	shalt  }
0x84: {  	_ =	shalt  }
0x85: {  	_ =	shalt  }
0x86: {  	_ =	shalt  }
0x87: {  	_ =	shalt  }
.Lfunc_end0:
.L_simem_size_0:
called_computation_lowered:
.L_overlay_start_0:
0x88: {  	s2 =	sld [smem:$0x3FD9]  }
0x89: {  	s3 =	sld [smem:$0x3FFE];
	_ =	sdelay $0x1  }
0x8a: {  	s1 =	srdreg.scid  }
0x8b: {  	s0 =	sand.u32 $0x1, s1  }
0x8c: {  	s17 =	sshll.u32 s0, $0xA;
	s2 =	sadd.s32 s3, s2  }
0x8d: {  	s2 =	sadd.s32 s2, s17  }
0x8e: {  	[smem:$0x3FB9] =	sst s2  }
0x8f: {  	_ = 	snop  }
0x90: {  	s2 =	sld [smem:$0x3FC9];
	(tm) =	ssettm $0x1  }
0x91: {  	s18 =	sld [smem:$0x3FFB];
	_ =	sdelay $0x3  }
0x92: {  	_ =	strace s18  }
0x93: {  	s3 =	sld [smem:$0x3FFC];
	_ =	sdelay $0x3  }
0x94: {  	_ =	strace s3  }
0x95: {  	s3 =	sld [smem:$0x3FFD];
	_ =	sdelay $0x3  }
0x96: {  	_ =	strace s3  }
0x97: {  	_ =	strace $0x8FFFFFFF  }
0x98: {  	s19 =	sld [smem:$0x3FDB];
	_ =	sdelay $0x1  }
0x99: {  	s4 =	simm.s32 $_scs_section_size  }
0x9a: {  	s5 =	simm.s32 $_size__tile_overlayer_lowered;
	s6 =	simm.s32 $_tile_overlayer_lowered  }
0x9b: {  	s22 =	simm.s32 $0x1BFF;
	s21 =	sshll.u32 s6, $0x1;
	s3 =	sadd.s32 s4, s19  }
0x9c: {  	s7 =	simm.s32 $0x0;
	s20 =	sshll.u32 s5, $0x1;
	s5 =	sadd.s32 s21, s3  }
0x9d: {  	[timem:s7], [sflag:s22] =	dma.local [hbm:s5], s20  }
0x9e: {  	_ =	swait.ge [sflag:s22], s20  }
0x9f: {  	s4 =	ssub.s32 $0x0, s20;
	[sflag:s22] =	ssyncset.done $0x0  }
0xa0: {  	[sflag:s22] =	ssyncadd.s32 s4;
	_ =	sdelay $0x1  }
0xa1: {  	s23 =	simm.s32 $0x1B8B  }
0xa2: {  	_ =	swait.ge [sflag:s23], $0x1  }
0xa3: {  	[sflag:s23] =	ssyncset.done $0x0  }
0xa4: {  	s25 =	simm.s32 $0x1B8E;
	s24 =	sld [smem:$0x3FFE];
	[sflag:s23] =	ssyncadd.s32 $0xFFFFFFFF  }
0xa5: {  	s26 =	simm.s32 $execute0_lowered;
	[smem:$0x3FD2] =	sst s25  }
0xa6: {  	s5 =	sshll.u32 s26, $0x1;
	_ =	strace $0x80000046;
	[dreg:$0x1] =	wrdreg $0xFFFFFFFF  }
0xa7: {  	s28 =	simm.s32 $_size_execute0_lowered;
	s3 =	sadd.s32 s3, s5;
	[dreg:$0x0] =	wrdreg $0x0  }
0xa8: {  	s5 =	sshll.u32 s28, $0x1;
	[dreg:$0x2] =	wrdreg s3  }
0xa9: {  	[dreg:$0x3] =	wrdreg s5  }
0xaa: {  	[dreg:$0x4] =	wrdreg $0xC0  }
0xab: {  	_ =	task [dreg:s7], $0x5FFFF  }
0xac: {  	[dreg:$0x1] =	wrdreg $0xFFFFFFFF  }
0xad: {  	[dreg:$0x0] =	wrdreg $0x60  }
0xae: {  	[dreg:$0x2] =	wrdreg s2  }
0xaf: {  	[dreg:$0x3] =	wrdreg s24  }
0xb0: {  	[dreg:$0x4] =	wrdreg $0xBB800  }
0xb1: {  	[dreg:$0x5] =	wrdreg $0x9  }
0xb2: {  	_ =	task.clear_ibuf [dreg:s7], $0x6FFFF;
	_ =	strace $0x90000046  }
0xb3: {  	s29 =	simm.s32 $0x9;
	_ =	strace $0x80000048  }
0xb4: {  	_ =	swait.ge [sflag:s29], $0x1  }
0xb5: {  	[sflag:s29] =	ssyncadd.s32 $0xFFFFFFFF  }
0xb6: {  	_ =	strace $0x90000048  }
0xb7: {  	_ =	sfence  }
0xb8: {  	s30 =	sld [smem:$0x0];
	_ =	sdelay $0x2  }
0xb9: {  	s31 =	sshll.u32 s1, $0xD;
	s1 =	sshrl.u32 s1, $0x2  }
0xba: {  	s3 =	sand.u32 $0x4000, s31;
	s1 =	sadd.s32 s1, s30  }
0xbb: {  	s0 =	sor.u32 s3, s0;
	s1 =	sshll.u32 s1, $0x11  }
0xbc: {  	s0 =	sor.u32 s1, s0  }
0xbd: {  	s0 =	sadd.s32 $0x8F2B, s0  }
0xbe: {  	[sflag:s0] =	ssyncadd.remote.s32 $0x1  }
0xbf: {  	_ =	sfence.sel $0xFFFF  }
0xc0: {  	[dreg:$0x0] =	wrdreg $0xFFFFFFFF;
	(pc) =	sbr.abs _section_cstart, $3  }
0xc1: {  	[dreg:$0x1] =	wrdreg $0xFFFFFFFF  }
0xc2: {  	_ =	task.clear_ibuf [dreg:s7], $0x2FFFF;
	_ =	strace $0x9FFFFFFF  }
0xc3: {  	(tm) =	ssettm $0x7FFFFFFF  }
tec
execute0_lowered:
.L_overlay_start_1:
0x0: {  	(tag) =	ssettag $0x1  }
0x1: {  	s2 =	srdreg.scid;
	s1 =	rddreg [dreg:$0x0]  }
0x2: {  	s0 =	stileid.u32;
	s5 =	rddreg [dreg:$0x1]  }
0x3: {  	s14 =	simm.s32 $0x400;
	s15 =	simm.s32 $0x2780;
	s16 =	simm.s32 $0xB780  }
0x4: {  	s17 =	simm.s32 $0x1;
	s18 =	simm.s32 $0x2;
	s19 =	simm.s32 $0x6780  }
0x5: {  	s20 =	simm.s32 $0x8F80;
	s21 =	simm.s32 $0x3;
	s22 =	simm.s32 $0x4  }
0x6: {  	s23 =	simm.s32 $0x6480;
	s24 =	simm.s32 $0x26C0;
	s26 =	simm.s32 $0x6500  }
0x7: {  	s28 =	simm.s32 $0x6580;
	s29 =	simm.s32 $0x0;
	s2 =	sand.u32 $0x1, s2  }
0x8: {  	s3 =	sshll.u32 s0, $0x1;
	s4 =	sshrl.u32 s0, $0x2;
	s9 =	smul.u32 $0x13800, s0  }
0x9: {  	s10 =	sadd.s32 $0x1DC00, s5;
	p0 =	seq.s32 s0, $0xF;
	s11 =	smul.u32 $0x4E000, s0  }
0xa: {  	s6 =	sor.u32 s2, s3;
	s3 =	rddreg [dreg:$0x2];
	s7 =	smul.u32 $0x13C00, s4  }
0xb: {  	s4 =	simm.s32 $0x0;
	s30 =	ssub.s32 $0x2, s2;
	s2 =	smul.u32 $0x138800, s2  }
0xc: {  	s8 =	sshll.u32 s6, $0x7;
	[smem:$0x7FF] =	sst s4;
	s6 =	sshll.u32 s6, $0xB  }
0xd: {  	s31 =	sshrl.u32 s30, $0x1;
	s11 =	sshrl.u32 s11, $0x2;
	s8 =	sand.u32 $0x380, s8  }
0xe: {  	_ =	strace $0x80000047;
	s6 =	sadd.s32 s6, s5;
	s12 =	ssub.s32 s30, s31  }
0xf: {  	s9 =	sadd.s32 s9, s2;
	s2 =	sshrl.u32 s2, $0x3;
	s7 =	sor.u32 s7, s8  }
0x10: {  	s6 =	sadd.s32 $0x3E00, s6;
	s8 =	simm.s32 $0x50;
	s13 =	sshrl.u32 s9, $0x3  }
0x11: {  	s2 =	sadd.s32 s10, s2;
	s9 =	sadd.s32 s11, s3;
	s12 =	smax.u32 s12, $0x1  }
0x12: {  	s7 =	sshrl.u32 s7, $0x3;
	s8 =	simm.s32 @!p0 $0x4E;
	s10 =	sadd.s32 s10, s13  }
0x13: {  	s11 =	sadd.s32 $0x24900, s2;
	s2 =	sadd.s32 $0x124800, s3;
	s7 =	sadd.s32 s7, s5  }
0x14: {  	v0 =	vimm.f32 $0.0e+00;
	s25 =	sshrl.u32 @p0 s2, $0x3;
	s5 =	sadd.s32 $0x13E00, s7;
	s7 =	simm.s32 $0x50  }
.LBB2_1:
0x15: {  	s0 =	simm.s32 $0x80  }
0x16: {  	[tilespmem:s4], [sflag:$0x1] =	stream.strided.gather [hbm4b:s5+s0], $0x2780, s14, s0, $0x38;
	[tilespmem:$0x1F400] =	vst v63  }
0x17: {  	_ = 	snop  }
0x18: {  	[tilespmem:s15], [sflag:$0x2] =	stream.linear.gather [hbm4b:s6+s4], $0x3E80, $0x38;
	[tilespmem:$0x1F400] =	vst v63  }
0x19: {  	[tilespmem:$0xB780] =	vst v0  }
0x1a: {  	[tilespmem:$0xB790] =	vst v0  }
0x1b: {  	[tilespmem:$0xB7A0] =	vst v0  }
0x1c: {  	[tilespmem:$0xB7B0] =	vst v0  }
0x1d: {  	[tilespmem:$0xB7C0] =	vst v0  }
0x1e: {  	[tilespmem:$0xB7D0] =	vst v0  }
0x1f: {  	[tilespmem:$0xB7E0] =	vst v0  }
0x20: {  	[tilespmem:$0xB7F0] =	vst v0  }
0x21: {  	[tilespmem:$0xB800] =	vst v0  }
0x22: {  	[tilespmem:$0xB810] =	vst v0  }
0x23: {  	[tilespmem:$0xB820] =	vst v0  }
0x24: {  	[tilespmem:$0xB830] =	vst v0  }
0x25: {  	[tilespmem:$0xB840] =	vst v0  }
0x26: {  	[tilespmem:$0xB850] =	vst v0  }
0x27: {  	[tilespmem:$0xB860] =	vst v0  }
0x28: {  	[tilespmem:$0xB870] =	vst v0  }
0x29: {  	[tilespmem:$0xB880] =	vst v0  }
0x2a: {  	[tilespmem:$0xB890] =	vst v0  }
0x2b: {  	[tilespmem:$0xB8A0] =	vst v0  }
0x2c: {  	[tilespmem:$0xB8B0] =	vst v0  }
0x2d: {  	[tilespmem:$0xB8C0] =	vst v0  }
0x2e: {  	[tilespmem:$0xB8D0] =	vst v0  }
0x2f: {  	[tilespmem:$0xB8E0] =	vst v0  }
0x30: {  	[tilespmem:$0xB8F0] =	vst v0  }
0x31: {  	[tilespmem:$0xB900] =	vst v0  }
0x32: {  	[tilespmem:$0xB910] =	vst v0  }
0x33: {  	[tilespmem:$0xB920] =	vst v0  }
0x34: {  	[tilespmem:$0xB930] =	vst v0  }
0x35: {  	[tilespmem:$0xB940] =	vst v0  }
0x36: {  	[tilespmem:$0xB950] =	vst v0  }
0x37: {  	[tilespmem:$0xB960] =	vst v0  }
0x38: {  	[tilespmem:$0xB970] =	vst v0  }
0x39: {  	[tilespmem:$0xB980] =	vst v0  }
0x3a: {  	[tilespmem:$0xB990] =	vst v0  }
0x3b: {  	[tilespmem:$0xB9A0] =	vst v0  }
0x3c: {  	[tilespmem:$0xB9B0] =	vst v0  }
0x3d: {  	[tilespmem:$0xB9C0] =	vst v0  }
0x3e: {  	[tilespmem:$0xB9D0] =	vst v0  }
0x3f: {  	[tilespmem:$0xB9E0] =	vst v0  }
0x40: {  	[tilespmem:$0xB9F0] =	vst v0  }
0x41: {  	[tilespmem:$0xBA00] =	vst v0  }
0x42: {  	[tilespmem:$0xBA10] =	vst v0  }
0x43: {  	[tilespmem:$0xBA20] =	vst v0  }
0x44: {  	[tilespmem:$0xBA30] =	vst v0  }
0x45: {  	[tilespmem:$0xBA40] =	vst v0  }
0x46: {  	[tilespmem:$0xBA50] =	vst v0  }
0x47: {  	[tilespmem:$0xBA60] =	vst v0  }
0x48: {  	[tilespmem:$0xBA70] =	vst v0  }
0x49: {  	[tilespmem:$0xBA80] =	vst v0  }
0x4a: {  	[tilespmem:$0xBA90] =	vst v0  }
0x4b: {  	[tilespmem:$0xBAA0] =	vst v0  }
0x4c: {  	[tilespmem:$0xBAB0] =	vst v0  }
0x4d: {  	[tilespmem:$0xBAC0] =	vst v0  }
0x4e: {  	[tilespmem:$0xBAD0] =	vst v0  }
0x4f: {  	[tilespmem:$0xBAE0] =	vst v0  }
0x50: {  	[tilespmem:$0xBAF0] =	vst v0  }
0x51: {  	[tilespmem:$0xBB00] =	vst v0  }
0x52: {  	[tilespmem:$0xBB10] =	vst v0  }
0x53: {  	[tilespmem:$0xBB20] =	vst v0  }
0x54: {  	p1 =	sne.s32 s8, $0x1;
	[tilespmem:$0xBB30] =	vst v0  }
.Ltmp0:
0x55: {  	[tilespmem:$0xBB40] =	vst v0;
	(pc) =	sbr.rel @!p1 .LBB2_3-.Ltmp0, $4  }
0x56: {  	[tilespmem:$0xBB50] =	vst v0  }
0x57: {  	[tilespmem:$0xBB60] =	vst v0  }
0x58: {  	s2 =	sadd.s32 $0xFFFFFFFF, s8;
	s30 =	smov.u32 s9;
	[tilespmem:$0xBB70] =	vst v0  }
0x59: {  	[spmem:s9] =	stream.linear.scatter [tilespmem:s16], [sflag:$0x3], $0x400, $0x38;
	[tilespmem:$0x1F400] =	vst v63  }
.LBB2_2:
0x5a: {  	p2 =	sne.s32 s2, $0x1  }
.Ltmp1:
0x5b: {  	_ = 	snop;
	(pc) =	sbr.rel @p2 .LBB2_2-.Ltmp1, $3  }
0x5c: {  	_ = 	snop  }
0x5d: {  	s2 =	sadd.s32 $0xFFFFFFFF, s2;
	s30 =	sadd.s32 $0x400, s30;
	_ =	sdelay $0x1  }
0x5e: {  	[spmem:s30] =	stream.linear.scatter [tilespmem:s16], [sflag:$0x3], $0x400, $0x38;
	[tilespmem:$0x1F400] =	vst v63  }
.LBB2_3:
0x5f: {  	_ =	swait.ge [sflag:s17], $0x2780  }
0x60: {  	[sflag:s17] =	ssyncset.done $0x0  }
0x61: {  	[sflag:s17] =	ssyncadd.s32 $0xFFFFD880  }
0x62: {  	_ =	swait.ge [sflag:s18], $0x3E80  }
0x63: {  	[sflag:s18] =	ssyncset.done $0x0  }
0x64: {  	[sflag:s18] =	ssyncadd.s32 $0xFFFFC180  }
0x65: {  	[tilespmem:s19], [sflag:$0x1] =	stream.indirect.gather [hbm4b:s1+s7], $0x80, s4, s7, $0xb8;
	[tilespmem:$0x1F400] =	vst v63  }
.Ltmp2:
0x66: {  	_ = 	snop;
	(pc) =	sbr.rel @!p1 .LBB2_5-.Ltmp2, $4  }
0x67: {  	_ = 	snop  }
0x68: {  	[tilespmem:s20], [sflag:$0x2] =	stream.indirect.gather [hbm4b:s1+s7], $0x80, s7, s7, $0xb8;
	[tilespmem:$0x1F400] =	vst v63  }
0x69: {  	_ =	swait.ge [sflag:s21], $0x400  }
0x6a: {  	s2 =	sadd.s32 $0xFFFFFFFF, s8;
	[sflag:s21] =	ssyncset.done $0x0  }
.LBB2_4:
0x6b: {  	p1 =	sne.s32 s2, $0x1;
	s2 =	sadd.s32 $0xFFFFFFFF, s2;
	[sflag:s21] =	ssyncadd.s32 $0xFFFFFC00  }
.Ltmp3:
0x6c: {  	(pc) =	sbr.rel @p1 .LBB2_4-.Ltmp3, $3  }
0x6d: {  	_ =	sdelay $0x1  }
0x6e: {  	_ =	swait.ge [sflag:s21], $0x400  }
0x6f: {  	[sflag:s21] =	ssyncset.done $0x0  }
.LBB2_5:
0x70: {  	[sflag:s21] =	ssyncadd.s32 $0xFFFFFC00  }
0x71: {  	[bflag:$0x0] =	sbarrier.arrive $0xFFFF  }
0x72: {  	_ =	swait.ge [sflag:s17], $0x2800  }
0x73: {  	[sflag:s17] =	ssyncset.done $0x0  }
0x74: {  	s2 =	simm.s32 $0x2780;
	[sflag:s17] =	ssyncadd.s32 $0xFFFFD800  }
0x75: {  	[spmem:s3] =	stream.indirect.scatter.add.f32 [tilespmem:s19], [sflag:$0x4], $0x80, s2, s7, $0xb8;
	[tilespmem:$0x1F400] =	vst v63  }
0x76: {  	_ =	swait.ge [sflag:s22], $0x2800  }
0x77: {  	[sflag:s22] =	ssyncset.done $0x0  }
0x78: {  	s0 =	simm.s32 $0xA0;
	[sflag:s22] =	ssyncadd.s32 $0xFFFFD800  }
0x79: {  	[tilespmem:s19], [sflag:$0x1] =	stream.indirect.gather [hbm4b:s1+s7], $0x80, s0, s7, $0xb8;
	[tilespmem:$0x1F400] =	vst v63  }
0x7a: {  	_ =	swait.ge [sflag:s18], $0x2800  }
0x7b: {  	[sflag:s18] =	ssyncset.done $0x0  }
0x7c: {  	s13 =	simm.s32 $0x2800;
	[sflag:s18] =	ssyncadd.s32 $0xFFFFD800  }
0x7d: {  	[spmem:s3] =	stream.indirect.scatter.add.f32 [tilespmem:s20], [sflag:$0x4], $0x80, s13, s7, $0xb8;
	[tilespmem:$0x1F400] =	vst v63  }
0x7e: {  	_ =	swait.ge [sflag:s22], $0x2800  }
0x7f: {  	s30 =	simm.s32 $0xF0;
	[sflag:s22] =	ssyncset.done $0x0  }
0x80: {  	s31 =	simm.s32 $0x400;
	s2 =	simm.s32 $0x190;
	[sflag:s22] =	ssyncadd.s32 $0xFFFFD800  }
.LBB2_6:
0x81: {  	[tilespmem:s20], [sflag:$0x2] =	stream.indirect.gather [hbm4b:s1+s7], $0x80, s30, s7, $0xb8;
	[tilespmem:$0x1F400] =	vst v63  }
0x82: {  	s13 =	smov.u32 s31;
	s30 =	smov.u32 s2  }
0x83: {  	p1 =	sne.s32 s31, $0xF000;
	s31 =	sadd.s32 $0x400, s31;
	_ =	swait.ge [sflag:s17], $0x2800  }
0x84: {  	s13 =	sshra.s32 s13, $0x2;
	[sflag:s17] =	ssyncset.done $0x0  }
0x85: {  	s0 =	sadd.s32 $0x2780, s13;
	[sflag:s17] =	ssyncadd.s32 $0xFFFFD800  }
0x86: {  	[spmem:s3] =	stream.indirect.scatter.add.f32 [tilespmem:s19], [sflag:$0x4], $0x80, s0, s7, $0xb8;
	[tilespmem:$0x1F400] =	vst v63  }
0x87: {  	_ =	swait.ge [sflag:s22], $0x2800  }
0x88: {  	[sflag:s22] =	ssyncset.done $0x0  }
0x89: {  	s0 =	sadd.s32 $0xFFFFFFB0, s2;
	[sflag:s22] =	ssyncadd.s32 $0xFFFFD800  }
0x8a: {  	[tilespmem:s19], [sflag:$0x1] =	stream.indirect.gather [hbm4b:s1+s7], $0x80, s0, s7, $0xb8;
	[tilespmem:$0x1F400] =	vst v63  }
0x8b: {  	_ =	swait.ge [sflag:s18], $0x2800  }
0x8c: {  	[sflag:s18] =	ssyncset.done $0x0  }
.Ltmp4:
0x8d: {  	s0 =	sadd.s32 $0x2800, s13;
	[sflag:s18] =	ssyncadd.s32 $0xFFFFD800;
	(pc) =	sbr.rel @p1 .LBB2_6-.Ltmp4, $4  }
0x8e: {  	[spmem:s3] =	stream.indirect.scatter.add.f32 [tilespmem:s20], [sflag:$0x4], $0x80, s0, s7, $0xb8;
	[tilespmem:$0x1F400] =	vst v63  }
0x8f: {  	_ =	swait.ge [sflag:s22], $0x2800  }
0x90: {  	[sflag:s22] =	ssyncset.done $0x0  }
0x91: {  	s2 =	sadd.s32 $0xA0, s2;
	[sflag:s22] =	ssyncadd.s32 $0xFFFFD800  }
0x92: {  	[tilespmem:s20], [sflag:$0x2] =	stream.indirect.gather [hbm4b:s1+s7], $0x80, s30, s7, $0xb8;
	[tilespmem:$0x1F400] =	vst v63  }
0x93: {  	_ =	swait.ge [sflag:s17], $0x2800  }
0x94: {  	[sflag:s17] =	ssyncset.done $0x0  }
0x95: {  	[sflag:s17] =	ssyncadd.s32 $0xFFFFD800  }
0x96: {  	[spmem:s3] =	stream.indirect.scatter.add.f32 [tilespmem:s19], [sflag:$0x4], $0x80, s23, s7, $0xb8;
	[tilespmem:$0x1F400] =	vst v63  }
0x97: {  	_ =	swait.ge [sflag:s22], $0x2800  }
0x98: {  	[sflag:s22] =	ssyncset.done $0x0  }
0x99: {  	[sflag:s22] =	ssyncadd.s32 $0xFFFFD800  }
0x9a: {  	[tilespmem:s19], [sflag:$0x1] =	stream.indirect.gather [hbm4b:s1+s7], $0x80, s24, s7, $0xb8;
	[tilespmem:$0x1F400] =	vst v63  }
0x9b: {  	_ =	swait.ge [sflag:s18], $0x2800  }
0x9c: {  	[sflag:s18] =	ssyncset.done $0x0  }
0x9d: {  	[sflag:s18] =	ssyncadd.s32 $0xFFFFD800  }
0x9e: {  	[spmem:s3] =	stream.indirect.scatter.add.f32 [tilespmem:s20], [sflag:$0x4], $0x80, s26, s7, $0xb8;
	[tilespmem:$0x1F400] =	vst v63  }
0x9f: {  	_ =	swait.ge [sflag:s22], $0x2800  }
0xa0: {  	[sflag:s22] =	ssyncset.done $0x0  }
0xa1: {  	[sflag:s22] =	ssyncadd.s32 $0xFFFFD800  }
0xa2: {  	_ =	swait.ge [sflag:s17], $0x2800  }
0xa3: {  	[sflag:s17] =	ssyncset.done $0x0  }
0xa4: {  	[sflag:s17] =	ssyncadd.s32 $0xFFFFD800  }
0xa5: {  	[spmem:s3] =	stream.indirect.scatter.add.f32 [tilespmem:s19], [sflag:$0x4], $0x80, s28, s7, $0xb8;
	[tilespmem:$0x1F400] =	vst v63  }
0xa6: {  	_ =	swait.ge [sflag:s22], $0x2800  }
0xa7: {  	[sflag:s22] =	ssyncset.done $0x0  }
0xa8: {  	[sflag:s22] =	ssyncadd.s32 $0xFFFFD800  }
0xa9: {  	s0 =	simm.s32 @p0 $0x1FC4;
	[bflag:$0x0] =	sbarrier.arrive $0xFFFF  }
0xaa: {  	[hbm:s11], [sflag:s0] =	dma.local @p0 [spmem:s25], $0x2800  }
0xab: {  	s0 =	simm.s32 @p0 $0x4  }
0xac: {  	s2 =	stileid.u32;
	s29 =	sadd.s32 $0x1, s29;
	_ =	swait.ge @p0 [sflag:s0], $0x2800  }
0xad: {  	s2 =	sshll.u32 @!p0 s2, $0x6;
	p1 =	sne.s32 s29, s12;
	[sflag:s0] =	ssyncset.done @p0 $0x0  }
0xae: {  	[sflag:s0] =	ssyncadd.s32 @p0 $0xFFFFD800;
	s0 =	sor.u32 @!p0 $0x1C04, s2;
	s2 =	sshrl.u32 @!p0 s9, $0x3  }
0xaf: {  	[hbm:s10], [sflag:s0] =	dma.local @!p0 [spmem:s2], $0x2700  }
.Ltmp5:
0xb0: {  	_ = 	snop;
	(pc) =	sbr.rel @p1 .LBB2_1-.Ltmp5, $4  }
0xb1: {  	s0 =	simm.s32 @!p0 $0x4  }
0xb2: {  	_ =	swait.ge @!p0 [sflag:s0], $0x2700  }
0xb3: {  	[sflag:s0] =	ssyncset.done @!p0 $0x0  }
0xb4: {  	[sflag:s0] =	ssyncadd.s32 @!p0 $0xFFFFD900  }
0xb5: {  	_ =	sfence.sel $0x180000  }
0xb6: {  	[bflag:$0x0] =	sbarrier.arrive $0xFFFF  }
0xb7: {  	_ =	strace $0x90000047  }
0xb8: {  	s0 =	stileid.u32;
	[bflag:$0x2] =	sbarrier.arrive $0xFFFF  }
0xb9: {  	p0 =	sne.s32 s0, $0x0;
	s0 =	rddreg [dreg:$0x3]  }
0xba: {  	s0 =	sadd.s32 @!p0 $0x100000, s0  }
0xbb: {  	[sflag:s0] =	ssyncadd.tile.s32 @!p0 $0x1;
	_ =	shalt  }
.Lfunc_end2:
_tile_overlayer_lowered:
.L_overlay_start_2:
0xbc: {  	(tag) =	ssettag $0x2  }
0xbd: {  	s0 =	rddreg [dreg:$0x0];
	s2 =	stileid.u32  }
0xbe: {  	s1 =	rddreg [dreg:$0x1];
	p0 =	sne.s32 s2, $0x0  }
0xbf: {  	s3 =	rddreg [dreg:$0x2];
	[bflag:$0x3] =	sbarrier.arrive $0xFFFF;
	s2 =	simm.s32 @!p0 $0x1C04  }
0xc0: {  	[timem:s3], [sflag:s2] =	dma.local @!p0 [hbm:s0], s1  }
0xc1: {  	s0 =	simm.s32 @!p0 $0x4  }
0xc2: {  	_ =	swait.ge @!p0 [sflag:s0], s1  }
0xc3: {  	s1 =	ssub.s32 @!p0 $0x0, s1;
	[sflag:s0] =	ssyncset.done @!p0 $0x0  }
0xc4: {  	[sflag:s0] =	ssyncadd.s32 @!p0 s1  }
0xc5: {  	[bflag:$0x3] =	sbarrier.arrive $0xFFFF  }
0xc6: {  	_ =	shalt  }

</sc_bundles>
